<compile_context>
chip_gen: v7x
topology: tpu7x:2x2x1
jax: 0.10.2.dev20260603
libtpu: 0.0.44.dev20260713+nightly
codegen_flags: <defaults>
</compile_context>

<pallas_src>
import functools

import jax
import jax.numpy as jnp
from jax import lax
from jax.experimental import pallas as pl
from jax.experimental.pallas import tpu as pltpu
from jax.experimental.pallas import tpu_sc as plsc

VOCAB = 1000000
DIM = 64
BATCH = 16384
HIST = 50

NC, NS = 2, 16
DPC = DIM // NC
CB = BATCH // 4
NCB = BATCH // CB

_mesh = plsc.VectorSubcoreMesh(core_axis_name="c", subcore_axis_name="s")


@functools.partial(
    pl.kernel,
    out_type=jax.ShapeDtypeStruct((HIST, DIM, BATCH), jnp.float32),
    mesh=_mesh,
    scratch_types=[
        pltpu.VMEM_SHARED((VOCAB,), jnp.float32),
        pltpu.VMEM((5 * CB,), jnp.int32),
        pltpu.VMEM((4 * CB,), jnp.float32),
        pltpu.SemaphoreType.DMA,
        pltpu.SemaphoreType.DMA,
        pltpu.SemaphoreType.DMA,
    ],
)
def _embed_kernel(tok_hbm, table_hbm, out_hbm, row_sh, tokb, gbuf,
                  tsem, gsem, osem):
    c = lax.axis_index("c")
    s = lax.axis_index("s")
    NQ = HIST * NCB
    nu = jnp.where(s < NQ - NS * (NQ // NS), NQ // NS + 1, NQ // NS)

    def tok_src(u):
        q = s + NS * u
        h = q // NCB
        cb = q % NCB
        return tok_hbm.at[pl.ds(h * BATCH + cb * CB, CB)]

    def tok_dst(u):
        return tokb.at[pl.ds((u % 5) * CB, CB)]

    def gslot(u):
        return gbuf.at[pl.ds((u % 4) * CB, CB)]

    def out_dst(u, d):
        q = s + NS * u
        h = q // NCB
        cb = q % NCB
        return out_hbm.at[h, d, pl.ds(cb * CB, CB)]

    def dstep(dloc, carry):
        d = c * DPC + dloc
        pltpu.async_copy(tok_src(0), tok_dst(0), tsem)
        pltpu.async_copy(tok_src(1), tok_dst(1), tsem)
        pltpu.async_copy(tok_src(2), tok_dst(2), tsem)
        pltpu.async_copy(tok_src(3), tok_dst(3), tsem)
        plsc.subcore_barrier()

        @pl.when(s == 0)
        def _load_row():
            pltpu.sync_copy(table_hbm.at[d], row_sh)

        plsc.subcore_barrier()
        @pl.when(dloc > 0)
        def _drain_prev_final():
            pltpu.make_async_copy(
                gslot(nu - 1), out_dst(nu - 1, d - 1), osem
            ).wait()

        pltpu.make_async_copy(tok_src(0), tok_dst(0), tsem).wait()
        pltpu.async_copy(row_sh.at[tok_dst(0)], gslot(0), gsem)
        pltpu.make_async_copy(tok_src(1), tok_dst(1), tsem).wait()
        pltpu.async_copy(row_sh.at[tok_dst(1)], gslot(1), gsem)
        pltpu.make_async_copy(tok_src(2), tok_dst(2), tsem).wait()
        pltpu.async_copy(row_sh.at[tok_dst(2)], gslot(2), gsem)

        def ustep(u, carry):
            @pl.when(u + 4 < nu)
            def _prefetch_tok():
                pltpu.async_copy(tok_src(u + 4), tok_dst(u + 4), tsem)

            pltpu.make_async_copy(row_sh.at[tok_dst(u)], gslot(u), gsem).wait()

            @pl.when(u >= 1)
            def _free_gslot():
                pltpu.make_async_copy(gslot(u - 1), out_dst(u - 1, d), osem).wait()

            @pl.when(u + 3 < nu)
            def _next_gather():
                pltpu.make_async_copy(tok_src(u + 3), tok_dst(u + 3), tsem).wait()
                pltpu.async_copy(row_sh.at[tok_dst(u + 3)], gslot(u + 3), gsem)

            pltpu.async_copy(gslot(u), out_dst(u, d), osem)
            return carry

        lax.fori_loop(0, nu, ustep, 0)
        return carry

    lax.fori_loop(0, DPC, dstep, 0)
    pltpu.make_async_copy(
        gbuf.at[pl.ds(((nu - 1) % 4) * CB, CB)],
        out_hbm.at[0, 0, pl.ds(0, CB)],
        osem,
    ).wait()


def kernel(tokens, token_embedding):
    tok_flat = tokens.T.reshape(HIST * BATCH)
    out_t = _embed_kernel(tok_flat, token_embedding.T)
    return jnp.transpose(out_t, (2, 0, 1))

# --- scband reference (transcript-rebuilt; emitter-appended) ---
"""Pipeline reference for scband-embedding-10436770529384 (READ-ONLY COPY).

The authoritative reference and input builder live on the scoring server;
editing this copy changes nothing except your own understanding.
"""

import jax, jax.numpy as jnp
import numpy as np

VOCAB = 1000000
DIM = 64
PAD = 0
BATCH = 16384
HIST = 50


def setup_inputs(seed: int = 0) -> dict:
    key = jax.random.key(seed)
    k_tok, k_tab = jax.random.split(key)
    tokens = jax.random.randint(k_tok, (BATCH, HIST), 0, VOCAB, dtype=jnp.int32)
    token_embedding = jax.random.normal(k_tab, (VOCAB, DIM), dtype=jnp.float32) * 0.02
    return {"tokens": tokens, "token_embedding": token_embedding}


def reference(tokens, token_embedding):
    # F.embedding(tokens, table, padding_idx=PAD): forward is a plain row gather.
    # padding_idx only affects the backward pass (no grad to pad row).
    data = jnp.take(token_embedding, tokens, axis=0)
    return data

if __name__ == "__main__":
    import jax
    _d = setup_inputs()
    print(jax.jit(kernel)(*tuple(_d.values())))

</pallas_src>

<mosaic_0001>
#map = affine_map<(d0, d1) -> (0)>
#map1 = affine_map<(d0, d1) -> (0, 0)>
#map2 = affine_map<(d0, d1) -> (0, 0, 0)>
module attributes {stable_mosaic.version = 14 : i64} {
  func.func @_embed_kernel(%arg0: i32, %arg1: i32, %arg2: memref<819200xi32, #tpu.memory_space<hbm>>, %arg3: memref<64x1000000xf32, #tpu.memory_space<hbm>>, %arg4: memref<50x64x16384xf32, #tpu.memory_space<hbm>>, %arg5: memref<1000000xf32, #tpu.memory_space<vmem_shared>>, %arg6: memref<20480xi32, #tpu.memory_space<vmem>>, %arg7: memref<16384xf32, #tpu.memory_space<vmem>>, %arg8: memref<!tpu.dma_semaphore, #tpu.memory_space<semaphore_mem>>, %arg9: memref<!tpu.dma_semaphore, #tpu.memory_space<semaphore_mem>>, %arg10: memref<!tpu.dma_semaphore, #tpu.memory_space<semaphore_mem>>) attributes {dimension_semantics = [#tpu.dimension_semantics<core_parallel>, #tpu.dimension_semantics<subcore_parallel>], iteration_bounds = array<i64: 2, 16>, scalar_prefetch = 0 : i64, scratch_operands = 6 : i64, tpu.core_type = #tpu.core_type<sc_vector_subcore>, window_params = [{transform_indices = #map}, {transform_indices = #map1}, {transform_indices = #map2}]} {
    %lt3A = arith.constant 8 : i32
    %lt3A_0 = arith.cmpi slt, %arg1, %lt3A : i32
    %jit3A = arith.constant 13 : i32
    %jit3A_1 = arith.constant 12 : i32
    %select_n3A = arith.select %lt3A_0, %jit3A, %jit3A_1 : i32
    %scan3A = arith.constant 0 : i32
    %scan3A_2 = arith.constant 0 : i32
    %scan3A_3 = arith.constant 32 : i32
    %scan3A_4 = arith.addi %scan3A_2, %scan3A_3 : i32
    %scan3A_5 = arith.constant 1 : i32
    scf.for %scan3A_29 = %scan3A_2 to %scan3A_4 step %scan3A_5  : i32 {
      %mul3A_30 = arith.constant 32 : i32
      %mul3A_31 = arith.muli %arg0, %mul3A_30 : i32
      %add3A_32 = arith.addi %mul3A_31, %scan3A_29 : i32
      %add3A_33 = arith.constant 0 : i32
      %add3A_34 = arith.addi %arg1, %add3A_33 : i32
      %jit3A_35 = arith.constant 4 : i32
      %div3A = arith.divsi %add3A_34, %jit3A_35 : i32
      %sign3A = arith.constant 0 : i32
      %sign3A_36 = arith.cmpi sgt, %add3A_34, %sign3A : i32
      %sign3A_37 = arith.extui %sign3A_36 : i1 to i32
      %sign3A_38 = arith.constant 0 : i32
      %sign3A_39 = arith.cmpi slt, %add3A_34, %sign3A_38 : i32
      %sign3A_40 = arith.extui %sign3A_39 : i1 to i32
      %sign3A_41 = arith.subi %sign3A_37, %sign3A_40 : i32
      %sign3A_42 = arith.constant 0 : i32
      %sign3A_43 = arith.cmpi sgt, %jit3A_35, %sign3A_42 : i32
      %sign3A_44 = arith.extui %sign3A_43 : i1 to i32
      %sign3A_45 = arith.constant 0 : i32
      %sign3A_46 = arith.cmpi slt, %jit3A_35, %sign3A_45 : i32
      %sign3A_47 = arith.extui %sign3A_46 : i1 to i32
      %sign3A_48 = arith.subi %sign3A_44, %sign3A_47 : i32
      %ne3A_49 = arith.cmpi ne, %sign3A_41, %sign3A_48 : i32
      %rem3A_50 = arith.remsi %add3A_34, %jit3A_35 : i32
      %ne3A_51 = arith.constant 0 : i32
      %ne3A_52 = arith.cmpi ne, %rem3A_50, %ne3A_51 : i32
      %and3A_53 = arith.andi %ne3A_49, %ne3A_52 : i1
      %sub3A_54 = arith.constant 1 : i32
      %sub3A_55 = arith.subi %div3A, %sub3A_54 : i32
      %select_n3A_56 = arith.select %and3A_53, %sub3A_55, %div3A : i32
      %jit3A_57 = arith.constant 4 : i32
      %eq3A_58 = arith.constant 0 : i32
      %eq3A_59 = arith.cmpi eq, %jit3A_57, %eq3A_58 : i32
      %jit3A_60 = arith.constant 1 : i32
      %select_n3A_61 = arith.select %eq3A_59, %jit3A_60, %jit3A_57 : i32
      %rem3A_62 = arith.remsi %add3A_34, %select_n3A_61 : i32
      %ne3A_63 = arith.constant 0 : i32
      %ne3A_64 = arith.cmpi ne, %rem3A_62, %ne3A_63 : i32
      %lt3A_65 = arith.constant 0 : i32
      %lt3A_66 = arith.cmpi slt, %rem3A_62, %lt3A_65 : i32
      %lt3A_67 = arith.constant 0 : i32
      %lt3A_68 = arith.cmpi slt, %select_n3A_61, %lt3A_67 : i32
      %ne3A_69 = arith.xori %lt3A_66, %lt3A_68 : i1
      %and3A_70 = arith.andi %ne3A_69, %ne3A_64 : i1
      %add3A_71 = arith.addi %rem3A_62, %select_n3A_61 : i32
      %select_n3A_72 = arith.select %and3A_70, %add3A_71, %rem3A_62 : i32
      %mul3A_73 = arith.constant 16384 : i32
      %mul3A_74 = arith.muli %select_n3A_56, %mul3A_73 : i32
      %mul3A_75 = arith.constant 4096 : i32
      %mul3A_76 = arith.muli %select_n3A_72, %mul3A_75 : i32
      %add3A_77 = arith.addi %mul3A_74, %mul3A_76 : i32
      %dma_start3A = arith.constant 0 : i32
      %dma_start3A_78 = tpu.memref_slice %arg6[%dma_start3A] : memref<20480xi32, #tpu.memory_space<vmem>> -> memref<4096xi32, #tpu.memory_space<vmem>>
      %dma_start3A_79 = tpu.memref_slice %arg2[%add3A_77] : memref<819200xi32, #tpu.memory_space<hbm>> -> memref<4096xi32, #tpu.memory_space<hbm>>
      %dma_start3A_80 = arith.constant 0 : i32
      %dma_start3A_81 = tpu.memref_slice %arg6[%dma_start3A_80] : memref<20480xi32, #tpu.memory_space<vmem>> -> memref<4096xi32, #tpu.memory_space<vmem>>
      %dma_start3A_82 = tpu.memref_slice %arg2[%add3A_77] : memref<819200xi32, #tpu.memory_space<hbm>> -> memref<4096xi32, #tpu.memory_space<hbm>>
      tpu.enqueue_dma source(%dma_start3A_82 : memref<4096xi32, #tpu.memory_space<hbm>>) target(%dma_start3A_81 : memref<4096xi32, #tpu.memory_space<vmem>>) target_semaphore(%arg8 : memref<!tpu.dma_semaphore, #tpu.memory_space<semaphore_mem>>)
      %add3A_83 = arith.constant 16 : i32
      %add3A_84 = arith.addi %arg1, %add3A_83 : i32
      %jit3A_85 = arith.constant 4 : i32
      %div3A_86 = arith.divsi %add3A_84, %jit3A_85 : i32
      %sign3A_87 = arith.constant 0 : i32
      %sign3A_88 = arith.cmpi sgt, %add3A_84, %sign3A_87 : i32
      %sign3A_89 = arith.extui %sign3A_88 : i1 to i32
      %sign3A_90 = arith.constant 0 : i32
      %sign3A_91 = arith.cmpi slt, %add3A_84, %sign3A_90 : i32
      %sign3A_92 = arith.extui %sign3A_91 : i1 to i32
      %sign3A_93 = arith.subi %sign3A_89, %sign3A_92 : i32
      %sign3A_94 = arith.constant 0 : i32
      %sign3A_95 = arith.cmpi sgt, %jit3A_85, %sign3A_94 : i32
      %sign3A_96 = arith.extui %sign3A_95 : i1 to i32
      %sign3A_97 = arith.constant 0 : i32
      %sign3A_98 = arith.cmpi slt, %jit3A_85, %sign3A_97 : i32
      %sign3A_99 = arith.extui %sign3A_98 : i1 to i32
      %sign3A_100 = arith.subi %sign3A_96, %sign3A_99 : i32
      %ne3A_101 = arith.cmpi ne, %sign3A_93, %sign3A_100 : i32
      %rem3A_102 = arith.remsi %add3A_84, %jit3A_85 : i32
      %ne3A_103 = arith.constant 0 : i32
      %ne3A_104 = arith.cmpi ne, %rem3A_102, %ne3A_103 : i32
      %and3A_105 = arith.andi %ne3A_101, %ne3A_104 : i1
      %sub3A_106 = arith.constant 1 : i32
      %sub3A_107 = arith.subi %div3A_86, %sub3A_106 : i32
      %select_n3A_108 = arith.select %and3A_105, %sub3A_107, %div3A_86 : i32
      %jit3A_109 = arith.constant 4 : i32
      %eq3A_110 = arith.constant 0 : i32
      %eq3A_111 = arith.cmpi eq, %jit3A_109, %eq3A_110 : i32
      %jit3A_112 = arith.constant 1 : i32
      %select_n3A_113 = arith.select %eq3A_111, %jit3A_112, %jit3A_109 : i32
      %rem3A_114 = arith.remsi %add3A_84, %select_n3A_113 : i32
      %ne3A_115 = arith.constant 0 : i32
      %ne3A_116 = arith.cmpi ne, %rem3A_114, %ne3A_115 : i32
      %lt3A_117 = arith.constant 0 : i32
      %lt3A_118 = arith.cmpi slt, %rem3A_114, %lt3A_117 : i32
      %lt3A_119 = arith.constant 0 : i32
      %lt3A_120 = arith.cmpi slt, %select_n3A_113, %lt3A_119 : i32
      %ne3A_121 = arith.xori %lt3A_118, %lt3A_120 : i1
      %and3A_122 = arith.andi %ne3A_121, %ne3A_116 : i1
      %add3A_123 = arith.addi %rem3A_114, %select_n3A_113 : i32
      %select_n3A_124 = arith.select %and3A_122, %add3A_123, %rem3A_114 : i32
      %mul3A_125 = arith.constant 16384 : i32
      %mul3A_126 = arith.muli %select_n3A_108, %mul3A_125 : i32
      %mul3A_127 = arith.constant 4096 : i32
      %mul3A_128 = arith.muli %select_n3A_124, %mul3A_127 : i32
      %add3A_129 = arith.addi %mul3A_126, %mul3A_128 : i32
      %dma_start3A_130 = arith.constant 4096 : i32
      %dma_start3A_131 = tpu.memref_slice %arg6[%dma_start3A_130] : memref<20480xi32, #tpu.memory_space<vmem>> -> memref<4096xi32, #tpu.memory_space<vmem>>
      %dma_start3A_132 = tpu.memref_slice %arg2[%add3A_129] : memref<819200xi32, #tpu.memory_space<hbm>> -> memref<4096xi32, #tpu.memory_space<hbm>>
      %dma_start3A_133 = arith.constant 4096 : i32
      %dma_start3A_134 = tpu.memref_slice %arg6[%dma_start3A_133] : memref<20480xi32, #tpu.memory_space<vmem>> -> memref<4096xi32, #tpu.memory_space<vmem>>
      %dma_start3A_135 = tpu.memref_slice %arg2[%add3A_129] : memref<819200xi32, #tpu.memory_space<hbm>> -> memref<4096xi32, #tpu.memory_space<hbm>>
      tpu.enqueue_dma source(%dma_start3A_135 : memref<4096xi32, #tpu.memory_space<hbm>>) target(%dma_start3A_134 : memref<4096xi32, #tpu.memory_space<vmem>>) target_semaphore(%arg8 : memref<!tpu.dma_semaphore, #tpu.memory_space<semaphore_mem>>)
      %add3A_136 = arith.constant 32 : i32
      %add3A_137 = arith.addi %arg1, %add3A_136 : i32
      %jit3A_138 = arith.constant 4 : i32
      %div3A_139 = arith.divsi %add3A_137, %jit3A_138 : i32
      %sign3A_140 = arith.constant 0 : i32
      %sign3A_141 = arith.cmpi sgt, %add3A_137, %sign3A_140 : i32
      %sign3A_142 = arith.extui %sign3A_141 : i1 to i32
      %sign3A_143 = arith.constant 0 : i32
      %sign3A_144 = arith.cmpi slt, %add3A_137, %sign3A_143 : i32
      %sign3A_145 = arith.extui %sign3A_144 : i1 to i32
      %sign3A_146 = arith.subi %sign3A_142, %sign3A_145 : i32
      %sign3A_147 = arith.constant 0 : i32
      %sign3A_148 = arith.cmpi sgt, %jit3A_138, %sign3A_147 : i32
      %sign3A_149 = arith.extui %sign3A_148 : i1 to i32
      %sign3A_150 = arith.constant 0 : i32
      %sign3A_151 = arith.cmpi slt, %jit3A_138, %sign3A_150 : i32
      %sign3A_152 = arith.extui %sign3A_151 : i1 to i32
      %sign3A_153 = arith.subi %sign3A_149, %sign3A_152 : i32
      %ne3A_154 = arith.cmpi ne, %sign3A_146, %sign3A_153 : i32
      %rem3A_155 = arith.remsi %add3A_137, %jit3A_138 : i32
      %ne3A_156 = arith.constant 0 : i32
      %ne3A_157 = arith.cmpi ne, %rem3A_155, %ne3A_156 : i32
      %and3A_158 = arith.andi %ne3A_154, %ne3A_157 : i1
      %sub3A_159 = arith.constant 1 : i32
      %sub3A_160 = arith.subi %div3A_139, %sub3A_159 : i32
      %select_n3A_161 = arith.select %and3A_158, %sub3A_160, %div3A_139 : i32
      %jit3A_162 = arith.constant 4 : i32
      %eq3A_163 = arith.constant 0 : i32
      %eq3A_164 = arith.cmpi eq, %jit3A_162, %eq3A_163 : i32
      %jit3A_165 = arith.constant 1 : i32
      %select_n3A_166 = arith.select %eq3A_164, %jit3A_165, %jit3A_162 : i32
      %rem3A_167 = arith.remsi %add3A_137, %select_n3A_166 : i32
      %ne3A_168 = arith.constant 0 : i32
      %ne3A_169 = arith.cmpi ne, %rem3A_167, %ne3A_168 : i32
      %lt3A_170 = arith.constant 0 : i32
      %lt3A_171 = arith.cmpi slt, %rem3A_167, %lt3A_170 : i32
      %lt3A_172 = arith.constant 0 : i32
      %lt3A_173 = arith.cmpi slt, %select_n3A_166, %lt3A_172 : i32
      %ne3A_174 = arith.xori %lt3A_171, %lt3A_173 : i1
      %and3A_175 = arith.andi %ne3A_174, %ne3A_169 : i1
      %add3A_176 = arith.addi %rem3A_167, %select_n3A_166 : i32
      %select_n3A_177 = arith.select %and3A_175, %add3A_176, %rem3A_167 : i32
      %mul3A_178 = arith.constant 16384 : i32
      %mul3A_179 = arith.muli %select_n3A_161, %mul3A_178 : i32
      %mul3A_180 = arith.constant 4096 : i32
      %mul3A_181 = arith.muli %select_n3A_177, %mul3A_180 : i32
      %add3A_182 = arith.addi %mul3A_179, %mul3A_181 : i32
      %dma_start3A_183 = arith.constant 8192 : i32
      %dma_start3A_184 = tpu.memref_slice %arg6[%dma_start3A_183] : memref<20480xi32, #tpu.memory_space<vmem>> -> memref<4096xi32, #tpu.memory_space<vmem>>
      %dma_start3A_185 = tpu.memref_slice %arg2[%add3A_182] : memref<819200xi32, #tpu.memory_space<hbm>> -> memref<4096xi32, #tpu.memory_space<hbm>>
      %dma_start3A_186 = arith.constant 8192 : i32
      %dma_start3A_187 = tpu.memref_slice %arg6[%dma_start3A_186] : memref<20480xi32, #tpu.memory_space<vmem>> -> memref<4096xi32, #tpu.memory_space<vmem>>
      %dma_start3A_188 = tpu.memref_slice %arg2[%add3A_182] : memref<819200xi32, #tpu.memory_space<hbm>> -> memref<4096xi32, #tpu.memory_space<hbm>>
      tpu.enqueue_dma source(%dma_start3A_188 : memref<4096xi32, #tpu.memory_space<hbm>>) target(%dma_start3A_187 : memref<4096xi32, #tpu.memory_space<vmem>>) target_semaphore(%arg8 : memref<!tpu.dma_semaphore, #tpu.memory_space<semaphore_mem>>)
      %add3A_189 = arith.constant 48 : i32
      %add3A_190 = arith.addi %arg1, %add3A_189 : i32
      %jit3A_191 = arith.constant 4 : i32
      %div3A_192 = arith.divsi %add3A_190, %jit3A_191 : i32
      %sign3A_193 = arith.constant 0 : i32
      %sign3A_194 = arith.cmpi sgt, %add3A_190, %sign3A_193 : i32
      %sign3A_195 = arith.extui %sign3A_194 : i1 to i32
      %sign3A_196 = arith.constant 0 : i32
      %sign3A_197 = arith.cmpi slt, %add3A_190, %sign3A_196 : i32
      %sign3A_198 = arith.extui %sign3A_197 : i1 to i32
      %sign3A_199 = arith.subi %sign3A_195, %sign3A_198 : i32
      %sign3A_200 = arith.constant 0 : i32
      %sign3A_201 = arith.cmpi sgt, %jit3A_191, %sign3A_200 : i32
      %sign3A_202 = arith.extui %sign3A_201 : i1 to i32
      %sign3A_203 = arith.constant 0 : i32
      %sign3A_204 = arith.cmpi slt, %jit3A_191, %sign3A_203 : i32
      %sign3A_205 = arith.extui %sign3A_204 : i1 to i32
      %sign3A_206 = arith.subi %sign3A_202, %sign3A_205 : i32
      %ne3A_207 = arith.cmpi ne, %sign3A_199, %sign3A_206 : i32
      %rem3A_208 = arith.remsi %add3A_190, %jit3A_191 : i32
      %ne3A_209 = arith.constant 0 : i32
      %ne3A_210 = arith.cmpi ne, %rem3A_208, %ne3A_209 : i32
      %and3A_211 = arith.andi %ne3A_207, %ne3A_210 : i1
      %sub3A_212 = arith.constant 1 : i32
      %sub3A_213 = arith.subi %div3A_192, %sub3A_212 : i32
      %select_n3A_214 = arith.select %and3A_211, %sub3A_213, %div3A_192 : i32
      %jit3A_215 = arith.constant 4 : i32
      %eq3A_216 = arith.constant 0 : i32
      %eq3A_217 = arith.cmpi eq, %jit3A_215, %eq3A_216 : i32
      %jit3A_218 = arith.constant 1 : i32
      %select_n3A_219 = arith.select %eq3A_217, %jit3A_218, %jit3A_215 : i32
      %rem3A_220 = arith.remsi %add3A_190, %select_n3A_219 : i32
      %ne3A_221 = arith.constant 0 : i32
      %ne3A_222 = arith.cmpi ne, %rem3A_220, %ne3A_221 : i32
      %lt3A_223 = arith.constant 0 : i32
      %lt3A_224 = arith.cmpi slt, %rem3A_220, %lt3A_223 : i32
      %lt3A_225 = arith.constant 0 : i32
      %lt3A_226 = arith.cmpi slt, %select_n3A_219, %lt3A_225 : i32
      %ne3A_227 = arith.xori %lt3A_224, %lt3A_226 : i1
      %and3A_228 = arith.andi %ne3A_227, %ne3A_222 : i1
      %add3A_229 = arith.addi %rem3A_220, %select_n3A_219 : i32
      %select_n3A_230 = arith.select %and3A_228, %add3A_229, %rem3A_220 : i32
      %mul3A_231 = arith.constant 16384 : i32
      %mul3A_232 = arith.muli %select_n3A_214, %mul3A_231 : i32
      %mul3A_233 = arith.constant 4096 : i32
      %mul3A_234 = arith.muli %select_n3A_230, %mul3A_233 : i32
      %add3A_235 = arith.addi %mul3A_232, %mul3A_234 : i32
      %dma_start3A_236 = arith.constant 12288 : i32
      %dma_start3A_237 = tpu.memref_slice %arg6[%dma_start3A_236] : memref<20480xi32, #tpu.memory_space<vmem>> -> memref<4096xi32, #tpu.memory_space<vmem>>
      %dma_start3A_238 = tpu.memref_slice %arg2[%add3A_235] : memref<819200xi32, #tpu.memory_space<hbm>> -> memref<4096xi32, #tpu.memory_space<hbm>>
      %dma_start3A_239 = arith.constant 12288 : i32
      %dma_start3A_240 = tpu.memref_slice %arg6[%dma_start3A_239] : memref<20480xi32, #tpu.memory_space<vmem>> -> memref<4096xi32, #tpu.memory_space<vmem>>
      %dma_start3A_241 = tpu.memref_slice %arg2[%add3A_235] : memref<819200xi32, #tpu.memory_space<hbm>> -> memref<4096xi32, #tpu.memory_space<hbm>>
      tpu.enqueue_dma source(%dma_start3A_241 : memref<4096xi32, #tpu.memory_space<hbm>>) target(%dma_start3A_240 : memref<4096xi32, #tpu.memory_space<vmem>>) target_semaphore(%arg8 : memref<!tpu.dma_semaphore, #tpu.memory_space<semaphore_mem>>)
      %barrier3A = arith.constant 0 : index
      tpu.barrier barrier_id(%barrier3A)
      %eq3A_242 = arith.constant 0 : i32
      %eq3A_243 = arith.cmpi eq, %arg1, %eq3A_242 : i32
      %convert_element_type3A = arith.extui %eq3A_243 : i1 to i32
      %cond3A = arith.constant 0 : i32
      %cond3A_244 = arith.cmpi ne, %convert_element_type3A, %cond3A : i32
      scf.if %cond3A_244 {
        "tpu.region"() ({
          %run_scoped3A = tpu.sem_alloc : memref<!tpu.dma_semaphore, #tpu.memory_space<semaphore_mem>>
          %dma_start3A_436 = arith.constant 0 : i32
          %dma_start3A_437 = tpu.memref_slice %arg3[%add3A_32, %dma_start3A_436] : memref<64x1000000xf32, #tpu.memory_space<hbm>> -> memref<1x1000000xf32, #tpu.memory_space<hbm>>
          %dma_start3A_438 = tpu.memref_squeeze %dma_start3A_437 : memref<1x1000000xf32, #tpu.memory_space<hbm>> -> memref<1000000xf32, #tpu.memory_space<hbm>>
          tpu.enqueue_dma source(%dma_start3A_438 : memref<1000000xf32, #tpu.memory_space<hbm>>) target(%arg5 : memref<1000000xf32, #tpu.memory_space<vmem_shared>>) target_semaphore(%run_scoped3A : memref<!tpu.dma_semaphore, #tpu.memory_space<semaphore_mem>>)
          %dma_wait3A_439 = arith.constant 0 : i32
          %dma_wait3A_440 = tpu.memref_slice %arg3[%add3A_32, %dma_wait3A_439] : memref<64x1000000xf32, #tpu.memory_space<hbm>> -> memref<1x1000000xf32, #tpu.memory_space<hbm>>
          %dma_wait3A_441 = tpu.memref_squeeze %dma_wait3A_440 : memref<1x1000000xf32, #tpu.memory_space<hbm>> -> memref<1000000xf32, #tpu.memory_space<hbm>>
          tpu.wait_dma2 semaphore(%run_scoped3A : memref<!tpu.dma_semaphore, #tpu.memory_space<semaphore_mem>>) src(%dma_wait3A_441 : memref<1000000xf32, #tpu.memory_space<hbm>>) dst(%arg5 : memref<1000000xf32, #tpu.memory_space<vmem_shared>>)
          tpu.yield
        }) : () -> ()
      } else {
      }
      %barrier3A_245 = arith.constant 0 : index
      tpu.barrier barrier_id(%barrier3A_245)
      %gt3A = arith.constant 0 : i32
      %gt3A_246 = arith.cmpi sgt, %scan3A_29, %gt3A : i32
      %convert_element_type3A_247 = arith.extui %gt3A_246 : i1 to i32
      %cond3A_248 = arith.constant 0 : i32
      %cond3A_249 = arith.cmpi ne, %convert_element_type3A_247, %cond3A_248 : i32
      scf.if %cond3A_249 {
        %sub3A_436 = arith.constant 1 : i32
        %sub3A_437 = arith.subi %select_n3A, %sub3A_436 : i32
        %jit3A_438 = arith.constant 4 : i32
        %eq3A_439 = arith.constant 0 : i32
        %eq3A_440 = arith.cmpi eq, %jit3A_438, %eq3A_439 : i32
        %jit3A_441 = arith.constant 1 : i32
        %select_n3A_442 = arith.select %eq3A_440, %jit3A_441, %jit3A_438 : i32
        %rem3A_443 = arith.remsi %sub3A_437, %select_n3A_442 : i32
        %ne3A_444 = arith.constant 0 : i32
        %ne3A_445 = arith.cmpi ne, %rem3A_443, %ne3A_444 : i32
        %lt3A_446 = arith.constant 0 : i32
        %lt3A_447 = arith.cmpi slt, %rem3A_443, %lt3A_446 : i32
        %lt3A_448 = arith.constant 0 : i32
        %lt3A_449 = arith.cmpi slt, %select_n3A_442, %lt3A_448 : i32
        %ne3A_450 = arith.xori %lt3A_447, %lt3A_449 : i1
        %and3A_451 = arith.andi %ne3A_450, %ne3A_445 : i1
        %add3A_452 = arith.addi %rem3A_443, %select_n3A_442 : i32
        %select_n3A_453 = arith.select %and3A_451, %add3A_452, %rem3A_443 : i32
        %mul3A_454 = arith.constant 4096 : i32
        %mul3A_455 = arith.muli %select_n3A_453, %mul3A_454 : i32
        %sub3A_456 = arith.constant 1 : i32
        %sub3A_457 = arith.subi %select_n3A, %sub3A_456 : i32
        %sub3A_458 = arith.constant 1 : i32
        %sub3A_459 = arith.subi %add3A_32, %sub3A_458 : i32
        %mul3A_460 = arith.constant 16 : i32
        %mul3A_461 = arith.muli %mul3A_460, %sub3A_457 : i32
        %add3A_462 = arith.addi %arg1, %mul3A_461 : i32
        %jit3A_463 = arith.constant 4 : i32
        %div3A_464 = arith.divsi %add3A_462, %jit3A_463 : i32
        %sign3A_465 = arith.constant 0 : i32
        %sign3A_466 = arith.cmpi sgt, %add3A_462, %sign3A_465 : i32
        %sign3A_467 = arith.extui %sign3A_466 : i1 to i32
        %sign3A_468 = arith.constant 0 : i32
        %sign3A_469 = arith.cmpi slt, %add3A_462, %sign3A_468 : i32
        %sign3A_470 = arith.extui %sign3A_469 : i1 to i32
        %sign3A_471 = arith.subi %sign3A_467, %sign3A_470 : i32
        %sign3A_472 = arith.constant 0 : i32
        %sign3A_473 = arith.cmpi sgt, %jit3A_463, %sign3A_472 : i32
        %sign3A_474 = arith.extui %sign3A_473 : i1 to i32
        %sign3A_475 = arith.constant 0 : i32
        %sign3A_476 = arith.cmpi slt, %jit3A_463, %sign3A_475 : i32
        %sign3A_477 = arith.extui %sign3A_476 : i1 to i32
        %sign3A_478 = arith.subi %sign3A_474, %sign3A_477 : i32
        %ne3A_479 = arith.cmpi ne, %sign3A_471, %sign3A_478 : i32
        %rem3A_480 = arith.remsi %add3A_462, %jit3A_463 : i32
        %ne3A_481 = arith.constant 0 : i32
        %ne3A_482 = arith.cmpi ne, %rem3A_480, %ne3A_481 : i32
        %and3A_483 = arith.andi %ne3A_479, %ne3A_482 : i1
        %sub3A_484 = arith.constant 1 : i32
        %sub3A_485 = arith.subi %div3A_464, %sub3A_484 : i32
        %select_n3A_486 = arith.select %and3A_483, %sub3A_485, %div3A_464 : i32
        %jit3A_487 = arith.constant 4 : i32
        %eq3A_488 = arith.constant 0 : i32
        %eq3A_489 = arith.cmpi eq, %jit3A_487, %eq3A_488 : i32
        %jit3A_490 = arith.constant 1 : i32
        %select_n3A_491 = arith.select %eq3A_489, %jit3A_490, %jit3A_487 : i32
        %rem3A_492 = arith.remsi %add3A_462, %select_n3A_491 : i32
        %ne3A_493 = arith.constant 0 : i32
        %ne3A_494 = arith.cmpi ne, %rem3A_492, %ne3A_493 : i32
        %lt3A_495 = arith.constant 0 : i32
        %lt3A_496 = arith.cmpi slt, %rem3A_492, %lt3A_495 : i32
        %lt3A_497 = arith.constant 0 : i32
        %lt3A_498 = arith.cmpi slt, %select_n3A_491, %lt3A_497 : i32
        %ne3A_499 = arith.xori %lt3A_496, %lt3A_498 : i1
        %and3A_500 = arith.andi %ne3A_499, %ne3A_494 : i1
        %add3A_501 = arith.addi %rem3A_492, %select_n3A_491 : i32
        %select_n3A_502 = arith.select %and3A_500, %add3A_501, %rem3A_492 : i32
        %mul3A_503 = arith.constant 4096 : i32
        %mul3A_504 = arith.muli %select_n3A_502, %mul3A_503 : i32
        %dma_wait3A_505 = tpu.memref_slice %arg7[%mul3A_455] : memref<16384xf32, #tpu.memory_space<vmem>> -> memref<4096xf32, #tpu.memory_space<vmem>>
        %dma_wait3A_506 = tpu.memref_slice %arg4[%select_n3A_486, %sub3A_459, %mul3A_504] : memref<50x64x16384xf32, #tpu.memory_space<hbm>> -> memref<1x1x4096xf32, #tpu.memory_space<hbm>>
        %dma_wait3A_507 = tpu.memref_squeeze %dma_wait3A_506 : memref<1x1x4096xf32, #tpu.memory_space<hbm>> -> memref<4096xf32, #tpu.memory_space<hbm>>
        %dma_wait3A_508 = tpu.memref_slice %arg4[%select_n3A_486, %sub3A_459, %mul3A_504] : memref<50x64x16384xf32, #tpu.memory_space<hbm>> -> memref<1x1x4096xf32, #tpu.memory_space<hbm>>
        %dma_wait3A_509 = tpu.memref_squeeze %dma_wait3A_508 : memref<1x1x4096xf32, #tpu.memory_space<hbm>> -> memref<4096xf32, #tpu.memory_space<hbm>>
        %dma_wait3A_510 = tpu.memref_slice %arg7[%mul3A_455] : memref<16384xf32, #tpu.memory_space<vmem>> -> memref<4096xf32, #tpu.memory_space<vmem>>
        tpu.wait_dma2 semaphore(%arg10 : memref<!tpu.dma_semaphore, #tpu.memory_space<semaphore_mem>>) src(%dma_wait3A_510 : memref<4096xf32, #tpu.memory_space<vmem>>) dst(%dma_wait3A_509 : memref<4096xf32, #tpu.memory_space<hbm>>)
      } else {
      }
      %add3A_250 = arith.constant 0 : i32
      %add3A_251 = arith.addi %arg1, %add3A_250 : i32
      %jit3A_252 = arith.constant 4 : i32
      %div3A_253 = arith.divsi %add3A_251, %jit3A_252 : i32
      %sign3A_254 = arith.constant 0 : i32
      %sign3A_255 = arith.cmpi sgt, %add3A_251, %sign3A_254 : i32
      %sign3A_256 = arith.extui %sign3A_255 : i1 to i32
      %sign3A_257 = arith.constant 0 : i32
      %sign3A_258 = arith.cmpi slt, %add3A_251, %sign3A_257 : i32
      %sign3A_259 = arith.extui %sign3A_258 : i1 to i32
      %sign3A_260 = arith.subi %sign3A_256, %sign3A_259 : i32
      %sign3A_261 = arith.constant 0 : i32
      %sign3A_262 = arith.cmpi sgt, %jit3A_252, %sign3A_261 : i32
      %sign3A_263 = arith.extui %sign3A_262 : i1 to i32
      %sign3A_264 = arith.constant 0 : i32
      %sign3A_265 = arith.cmpi slt, %jit3A_252, %sign3A_264 : i32
      %sign3A_266 = arith.extui %sign3A_265 : i1 to i32
      %sign3A_267 = arith.subi %sign3A_263, %sign3A_266 : i32
      %ne3A_268 = arith.cmpi ne, %sign3A_260, %sign3A_267 : i32
      %rem3A_269 = arith.remsi %add3A_251, %jit3A_252 : i32
      %ne3A_270 = arith.constant 0 : i32
      %ne3A_271 = arith.cmpi ne, %rem3A_269, %ne3A_270 : i32
      %and3A_272 = arith.andi %ne3A_268, %ne3A_271 : i1
      %sub3A_273 = arith.constant 1 : i32
      %sub3A_274 = arith.subi %div3A_253, %sub3A_273 : i32
      %select_n3A_275 = arith.select %and3A_272, %sub3A_274, %div3A_253 : i32
      %jit3A_276 = arith.constant 4 : i32
      %eq3A_277 = arith.constant 0 : i32
      %eq3A_278 = arith.cmpi eq, %jit3A_276, %eq3A_277 : i32
      %jit3A_279 = arith.constant 1 : i32
      %select_n3A_280 = arith.select %eq3A_278, %jit3A_279, %jit3A_276 : i32
      %rem3A_281 = arith.remsi %add3A_251, %select_n3A_280 : i32
      %ne3A_282 = arith.constant 0 : i32
      %ne3A_283 = arith.cmpi ne, %rem3A_281, %ne3A_282 : i32
      %lt3A_284 = arith.constant 0 : i32
      %lt3A_285 = arith.cmpi slt, %rem3A_281, %lt3A_284 : i32
      %lt3A_286 = arith.constant 0 : i32
      %lt3A_287 = arith.cmpi slt, %select_n3A_280, %lt3A_286 : i32
      %ne3A_288 = arith.xori %lt3A_285, %lt3A_287 : i1
      %and3A_289 = arith.andi %ne3A_288, %ne3A_283 : i1
      %add3A_290 = arith.addi %rem3A_281, %select_n3A_280 : i32
      %select_n3A_291 = arith.select %and3A_289, %add3A_290, %rem3A_281 : i32
      %mul3A_292 = arith.constant 16384 : i32
      %mul3A_293 = arith.muli %select_n3A_275, %mul3A_292 : i32
      %mul3A_294 = arith.constant 4096 : i32
      %mul3A_295 = arith.muli %select_n3A_291, %mul3A_294 : i32
      %add3A_296 = arith.addi %mul3A_293, %mul3A_295 : i32
      %dma_wait3A_297 = arith.constant 0 : i32
      %dma_wait3A_298 = tpu.memref_slice %arg6[%dma_wait3A_297] : memref<20480xi32, #tpu.memory_space<vmem>> -> memref<4096xi32, #tpu.memory_space<vmem>>
      %dma_wait3A_299 = tpu.memref_slice %arg2[%add3A_296] : memref<819200xi32, #tpu.memory_space<hbm>> -> memref<4096xi32, #tpu.memory_space<hbm>>
      %dma_wait3A_300 = arith.constant 0 : i32
      %dma_wait3A_301 = tpu.memref_slice %arg6[%dma_wait3A_300] : memref<20480xi32, #tpu.memory_space<vmem>> -> memref<4096xi32, #tpu.memory_space<vmem>>
      %dma_wait3A_302 = tpu.memref_slice %arg2[%add3A_296] : memref<819200xi32, #tpu.memory_space<hbm>> -> memref<4096xi32, #tpu.memory_space<hbm>>
      tpu.wait_dma2 semaphore(%arg8 : memref<!tpu.dma_semaphore, #tpu.memory_space<semaphore_mem>>) src(%dma_wait3A_302 : memref<4096xi32, #tpu.memory_space<hbm>>) dst(%dma_wait3A_301 : memref<4096xi32, #tpu.memory_space<vmem>>)
      %dma_start3A_303 = arith.constant 0 : i32
      %dma_start3A_304 = tpu.memref_slice %arg7[%dma_start3A_303] : memref<16384xf32, #tpu.memory_space<vmem>> -> memref<4096xf32, #tpu.memory_space<vmem>>
      %dma_start3A_305 = arith.constant 0 : i32
      %dma_start3A_306 = tpu.memref_slice %arg6[%dma_start3A_305] : memref<20480xi32, #tpu.memory_space<vmem>> -> memref<4096xi32, #tpu.memory_space<vmem>>
      %dma_start3A_307 = arith.constant 0 : i32
      %dma_start3A_308 = tpu.memref_slice %arg5[%dma_start3A_307] : memref<1000000xf32, #tpu.memory_space<vmem_shared>> -> memref<1000000xf32, #tpu.memory_space<vmem_shared>>
      tpu.enqueue_indirect_dma source(%dma_start3A_308 : memref<1000000xf32, #tpu.memory_space<vmem_shared>>) target(%dma_start3A_304 : memref<4096xf32, #tpu.memory_space<vmem>>) offsets(%dma_start3A_306 : memref<4096xi32, #tpu.memory_space<vmem>>) semaphore(%arg9 : memref<!tpu.dma_semaphore, #tpu.memory_space<semaphore_mem>>)
      %add3A_309 = arith.constant 16 : i32
      %add3A_310 = arith.addi %arg1, %add3A_309 : i32
      %jit3A_311 = arith.constant 4 : i32
      %div3A_312 = arith.divsi %add3A_310, %jit3A_311 : i32
      %sign3A_313 = arith.constant 0 : i32
      %sign3A_314 = arith.cmpi sgt, %add3A_310, %sign3A_313 : i32
      %sign3A_315 = arith.extui %sign3A_314 : i1 to i32
      %sign3A_316 = arith.constant 0 : i32
      %sign3A_317 = arith.cmpi slt, %add3A_310, %sign3A_316 : i32
      %sign3A_318 = arith.extui %sign3A_317 : i1 to i32
      %sign3A_319 = arith.subi %sign3A_315, %sign3A_318 : i32
      %sign3A_320 = arith.constant 0 : i32
      %sign3A_321 = arith.cmpi sgt, %jit3A_311, %sign3A_320 : i32
      %sign3A_322 = arith.extui %sign3A_321 : i1 to i32
      %sign3A_323 = arith.constant 0 : i32
      %sign3A_324 = arith.cmpi slt, %jit3A_311, %sign3A_323 : i32
      %sign3A_325 = arith.extui %sign3A_324 : i1 to i32
      %sign3A_326 = arith.subi %sign3A_322, %sign3A_325 : i32
      %ne3A_327 = arith.cmpi ne, %sign3A_319, %sign3A_326 : i32
      %rem3A_328 = arith.remsi %add3A_310, %jit3A_311 : i32
      %ne3A_329 = arith.constant 0 : i32
      %ne3A_330 = arith.cmpi ne, %rem3A_328, %ne3A_329 : i32
      %and3A_331 = arith.andi %ne3A_327, %ne3A_330 : i1
      %sub3A_332 = arith.constant 1 : i32
      %sub3A_333 = arith.subi %div3A_312, %sub3A_332 : i32
      %select_n3A_334 = arith.select %and3A_331, %sub3A_333, %div3A_312 : i32
      %jit3A_335 = arith.constant 4 : i32
      %eq3A_336 = arith.constant 0 : i32
      %eq3A_337 = arith.cmpi eq, %jit3A_335, %eq3A_336 : i32
      %jit3A_338 = arith.constant 1 : i32
      %select_n3A_339 = arith.select %eq3A_337, %jit3A_338, %jit3A_335 : i32
      %rem3A_340 = arith.remsi %add3A_310, %select_n3A_339 : i32
      %ne3A_341 = arith.constant 0 : i32
      %ne3A_342 = arith.cmpi ne, %rem3A_340, %ne3A_341 : i32
      %lt3A_343 = arith.constant 0 : i32
      %lt3A_344 = arith.cmpi slt, %rem3A_340, %lt3A_343 : i32
      %lt3A_345 = arith.constant 0 : i32
      %lt3A_346 = arith.cmpi slt, %select_n3A_339, %lt3A_345 : i32
      %ne3A_347 = arith.xori %lt3A_344, %lt3A_346 : i1
      %and3A_348 = arith.andi %ne3A_347, %ne3A_342 : i1
      %add3A_349 = arith.addi %rem3A_340, %select_n3A_339 : i32
      %select_n3A_350 = arith.select %and3A_348, %add3A_349, %rem3A_340 : i32
      %mul3A_351 = arith.constant 16384 : i32
      %mul3A_352 = arith.muli %select_n3A_334, %mul3A_351 : i32
      %mul3A_353 = arith.constant 4096 : i32
      %mul3A_354 = arith.muli %select_n3A_350, %mul3A_353 : i32
      %add3A_355 = arith.addi %mul3A_352, %mul3A_354 : i32
      %dma_wait3A_356 = arith.constant 4096 : i32
      %dma_wait3A_357 = tpu.memref_slice %arg6[%dma_wait3A_356] : memref<20480xi32, #tpu.memory_space<vmem>> -> memref<4096xi32, #tpu.memory_space<vmem>>
      %dma_wait3A_358 = tpu.memref_slice %arg2[%add3A_355] : memref<819200xi32, #tpu.memory_space<hbm>> -> memref<4096xi32, #tpu.memory_space<hbm>>
      %dma_wait3A_359 = arith.constant 4096 : i32
      %dma_wait3A_360 = tpu.memref_slice %arg6[%dma_wait3A_359] : memref<20480xi32, #tpu.memory_space<vmem>> -> memref<4096xi32, #tpu.memory_space<vmem>>
      %dma_wait3A_361 = tpu.memref_slice %arg2[%add3A_355] : memref<819200xi32, #tpu.memory_space<hbm>> -> memref<4096xi32, #tpu.memory_space<hbm>>
      tpu.wait_dma2 semaphore(%arg8 : memref<!tpu.dma_semaphore, #tpu.memory_space<semaphore_mem>>) src(%dma_wait3A_361 : memref<4096xi32, #tpu.memory_space<hbm>>) dst(%dma_wait3A_360 : memref<4096xi32, #tpu.memory_space<vmem>>)
      %dma_start3A_362 = arith.constant 4096 : i32
      %dma_start3A_363 = tpu.memref_slice %arg7[%dma_start3A_362] : memref<16384xf32, #tpu.memory_space<vmem>> -> memref<4096xf32, #tpu.memory_space<vmem>>
      %dma_start3A_364 = arith.constant 4096 : i32
      %dma_start3A_365 = tpu.memref_slice %arg6[%dma_start3A_364] : memref<20480xi32, #tpu.memory_space<vmem>> -> memref<4096xi32, #tpu.memory_space<vmem>>
      %dma_start3A_366 = arith.constant 0 : i32
      %dma_start3A_367 = tpu.memref_slice %arg5[%dma_start3A_366] : memref<1000000xf32, #tpu.memory_space<vmem_shared>> -> memref<1000000xf32, #tpu.memory_space<vmem_shared>>
      tpu.enqueue_indirect_dma source(%dma_start3A_367 : memref<1000000xf32, #tpu.memory_space<vmem_shared>>) target(%dma_start3A_363 : memref<4096xf32, #tpu.memory_space<vmem>>) offsets(%dma_start3A_365 : memref<4096xi32, #tpu.memory_space<vmem>>) semaphore(%arg9 : memref<!tpu.dma_semaphore, #tpu.memory_space<semaphore_mem>>)
      %add3A_368 = arith.constant 32 : i32
      %add3A_369 = arith.addi %arg1, %add3A_368 : i32
      %jit3A_370 = arith.constant 4 : i32
      %div3A_371 = arith.divsi %add3A_369, %jit3A_370 : i32
      %sign3A_372 = arith.constant 0 : i32
      %sign3A_373 = arith.cmpi sgt, %add3A_369, %sign3A_372 : i32
      %sign3A_374 = arith.extui %sign3A_373 : i1 to i32
      %sign3A_375 = arith.constant 0 : i32
      %sign3A_376 = arith.cmpi slt, %add3A_369, %sign3A_375 : i32
      %sign3A_377 = arith.extui %sign3A_376 : i1 to i32
      %sign3A_378 = arith.subi %sign3A_374, %sign3A_377 : i32
      %sign3A_379 = arith.constant 0 : i32
      %sign3A_380 = arith.cmpi sgt, %jit3A_370, %sign3A_379 : i32
      %sign3A_381 = arith.extui %sign3A_380 : i1 to i32
      %sign3A_382 = arith.constant 0 : i32
      %sign3A_383 = arith.cmpi slt, %jit3A_370, %sign3A_382 : i32
      %sign3A_384 = arith.extui %sign3A_383 : i1 to i32
      %sign3A_385 = arith.subi %sign3A_381, %sign3A_384 : i32
      %ne3A_386 = arith.cmpi ne, %sign3A_378, %sign3A_385 : i32
      %rem3A_387 = arith.remsi %add3A_369, %jit3A_370 : i32
      %ne3A_388 = arith.constant 0 : i32
      %ne3A_389 = arith.cmpi ne, %rem3A_387, %ne3A_388 : i32
      %and3A_390 = arith.andi %ne3A_386, %ne3A_389 : i1
      %sub3A_391 = arith.constant 1 : i32
      %sub3A_392 = arith.subi %div3A_371, %sub3A_391 : i32
      %select_n3A_393 = arith.select %and3A_390, %sub3A_392, %div3A_371 : i32
      %jit3A_394 = arith.constant 4 : i32
      %eq3A_395 = arith.constant 0 : i32
      %eq3A_396 = arith.cmpi eq, %jit3A_394, %eq3A_395 : i32
      %jit3A_397 = arith.constant 1 : i32
      %select_n3A_398 = arith.select %eq3A_396, %jit3A_397, %jit3A_394 : i32
      %rem3A_399 = arith.remsi %add3A_369, %select_n3A_398 : i32
      %ne3A_400 = arith.constant 0 : i32
      %ne3A_401 = arith.cmpi ne, %rem3A_399, %ne3A_400 : i32
      %lt3A_402 = arith.constant 0 : i32
      %lt3A_403 = arith.cmpi slt, %rem3A_399, %lt3A_402 : i32
      %lt3A_404 = arith.constant 0 : i32
      %lt3A_405 = arith.cmpi slt, %select_n3A_398, %lt3A_404 : i32
      %ne3A_406 = arith.xori %lt3A_403, %lt3A_405 : i1
      %and3A_407 = arith.andi %ne3A_406, %ne3A_401 : i1
      %add3A_408 = arith.addi %rem3A_399, %select_n3A_398 : i32
      %select_n3A_409 = arith.select %and3A_407, %add3A_408, %rem3A_399 : i32
      %mul3A_410 = arith.constant 16384 : i32
      %mul3A_411 = arith.muli %select_n3A_393, %mul3A_410 : i32
      %mul3A_412 = arith.constant 4096 : i32
      %mul3A_413 = arith.muli %select_n3A_409, %mul3A_412 : i32
      %add3A_414 = arith.addi %mul3A_411, %mul3A_413 : i32
      %dma_wait3A_415 = arith.constant 8192 : i32
      %dma_wait3A_416 = tpu.memref_slice %arg6[%dma_wait3A_415] : memref<20480xi32, #tpu.memory_space<vmem>> -> memref<4096xi32, #tpu.memory_space<vmem>>
      %dma_wait3A_417 = tpu.memref_slice %arg2[%add3A_414] : memref<819200xi32, #tpu.memory_space<hbm>> -> memref<4096xi32, #tpu.memory_space<hbm>>
      %dma_wait3A_418 = arith.constant 8192 : i32
      %dma_wait3A_419 = tpu.memref_slice %arg6[%dma_wait3A_418] : memref<20480xi32, #tpu.memory_space<vmem>> -> memref<4096xi32, #tpu.memory_space<vmem>>
      %dma_wait3A_420 = tpu.memref_slice %arg2[%add3A_414] : memref<819200xi32, #tpu.memory_space<hbm>> -> memref<4096xi32, #tpu.memory_space<hbm>>
      tpu.wait_dma2 semaphore(%arg8 : memref<!tpu.dma_semaphore, #tpu.memory_space<semaphore_mem>>) src(%dma_wait3A_420 : memref<4096xi32, #tpu.memory_space<hbm>>) dst(%dma_wait3A_419 : memref<4096xi32, #tpu.memory_space<vmem>>)
      %dma_start3A_421 = arith.constant 8192 : i32
      %dma_start3A_422 = tpu.memref_slice %arg7[%dma_start3A_421] : memref<16384xf32, #tpu.memory_space<vmem>> -> memref<4096xf32, #tpu.memory_space<vmem>>
      %dma_start3A_423 = arith.constant 8192 : i32
      %dma_start3A_424 = tpu.memref_slice %arg6[%dma_start3A_423] : memref<20480xi32, #tpu.memory_space<vmem>> -> memref<4096xi32, #tpu.memory_space<vmem>>
      %dma_start3A_425 = arith.constant 0 : i32
      %dma_start3A_426 = tpu.memref_slice %arg5[%dma_start3A_425] : memref<1000000xf32, #tpu.memory_space<vmem_shared>> -> memref<1000000xf32, #tpu.memory_space<vmem_shared>>
      tpu.enqueue_indirect_dma source(%dma_start3A_426 : memref<1000000xf32, #tpu.memory_space<vmem_shared>>) target(%dma_start3A_422 : memref<4096xf32, #tpu.memory_space<vmem>>) offsets(%dma_start3A_424 : memref<4096xi32, #tpu.memory_space<vmem>>) semaphore(%arg9 : memref<!tpu.dma_semaphore, #tpu.memory_space<semaphore_mem>>)
      %while3A = arith.constant 0 : i32
      %while3A_427 = arith.constant 0 : i32
      %while3A_428 = arith.subi %select_n3A, %while3A_427 : i32
      %while3A_429 = arith.addi %while3A_427, %while3A_428 : i32
      %while3A_430 = arith.constant 1 : i32
      %while3A_431 = arith.divsi %while3A_428, %while3A_430 : i32
      %while3A_432 = arith.muli %while3A_431, %while3A_430 : i32
      %while3A_433 = arith.addi %while3A_427, %while3A_432 : i32
      %while3A_434 = arith.constant 1 : i32
      scf.for %while3A_436 = %while3A_427 to %while3A_433 step %while3A_434  : i32 {
        %add3A_437 = arith.constant 4 : i32
        %add3A_438 = arith.addi %while3A_436, %add3A_437 : i32
        %lt3A_439 = arith.cmpi slt, %add3A_438, %select_n3A : i32
        %convert_element_type3A_440 = arith.extui %lt3A_439 : i1 to i32
        %cond3A_441 = arith.constant 0 : i32
        %cond3A_442 = arith.cmpi ne, %convert_element_type3A_440, %cond3A_441 : i32
        scf.if %cond3A_442 {
          %add3A_562 = arith.constant 4 : i32
          %add3A_563 = arith.addi %while3A_436, %add3A_562 : i32
          %mul3A_564 = arith.constant 16 : i32
          %mul3A_565 = arith.muli %mul3A_564, %add3A_563 : i32
          %add3A_566 = arith.addi %arg1, %mul3A_565 : i32
          %jit3A_567 = arith.constant 4 : i32
          %div3A_568 = arith.divsi %add3A_566, %jit3A_567 : i32
          %sign3A_569 = arith.constant 0 : i32
          %sign3A_570 = arith.cmpi sgt, %add3A_566, %sign3A_569 : i32
          %sign3A_571 = arith.extui %sign3A_570 : i1 to i32
          %sign3A_572 = arith.constant 0 : i32
          %sign3A_573 = arith.cmpi slt, %add3A_566, %sign3A_572 : i32
          %sign3A_574 = arith.extui %sign3A_573 : i1 to i32
          %sign3A_575 = arith.subi %sign3A_571, %sign3A_574 : i32
          %sign3A_576 = arith.constant 0 : i32
          %sign3A_577 = arith.cmpi sgt, %jit3A_567, %sign3A_576 : i32
          %sign3A_578 = arith.extui %sign3A_577 : i1 to i32
          %sign3A_579 = arith.constant 0 : i32
          %sign3A_580 = arith.cmpi slt, %jit3A_567, %sign3A_579 : i32
          %sign3A_581 = arith.extui %sign3A_580 : i1 to i32
          %sign3A_582 = arith.subi %sign3A_578, %sign3A_581 : i32
          %ne3A_583 = arith.cmpi ne, %sign3A_575, %sign3A_582 : i32
          %rem3A_584 = arith.remsi %add3A_566, %jit3A_567 : i32
          %ne3A_585 = arith.constant 0 : i32
          %ne3A_586 = arith.cmpi ne, %rem3A_584, %ne3A_585 : i32
          %and3A_587 = arith.andi %ne3A_583, %ne3A_586 : i1
          %sub3A_588 = arith.constant 1 : i32
          %sub3A_589 = arith.subi %div3A_568, %sub3A_588 : i32
          %select_n3A_590 = arith.select %and3A_587, %sub3A_589, %div3A_568 : i32
          %jit3A_591 = arith.constant 4 : i32
          %eq3A_592 = arith.constant 0 : i32
          %eq3A_593 = arith.cmpi eq, %jit3A_591, %eq3A_592 : i32
          %jit3A_594 = arith.constant 1 : i32
          %select_n3A_595 = arith.select %eq3A_593, %jit3A_594, %jit3A_591 : i32
          %rem3A_596 = arith.remsi %add3A_566, %select_n3A_595 : i32
          %ne3A_597 = arith.constant 0 : i32
          %ne3A_598 = arith.cmpi ne, %rem3A_596, %ne3A_597 : i32
          %lt3A_599 = arith.constant 0 : i32
          %lt3A_600 = arith.cmpi slt, %rem3A_596, %lt3A_599 : i32
          %lt3A_601 = arith.constant 0 : i32
          %lt3A_602 = arith.cmpi slt, %select_n3A_595, %lt3A_601 : i32
          %ne3A_603 = arith.xori %lt3A_600, %lt3A_602 : i1
          %and3A_604 = arith.andi %ne3A_603, %ne3A_598 : i1
          %add3A_605 = arith.addi %rem3A_596, %select_n3A_595 : i32
          %select_n3A_606 = arith.select %and3A_604, %add3A_605, %rem3A_596 : i32
          %mul3A_607 = arith.constant 16384 : i32
          %mul3A_608 = arith.muli %select_n3A_590, %mul3A_607 : i32
          %mul3A_609 = arith.constant 4096 : i32
          %mul3A_610 = arith.muli %select_n3A_606, %mul3A_609 : i32
          %add3A_611 = arith.addi %mul3A_608, %mul3A_610 : i32
          %add3A_612 = arith.constant 4 : i32
          %add3A_613 = arith.addi %while3A_436, %add3A_612 : i32
          %jit3A_614 = arith.constant 5 : i32
          %eq3A_615 = arith.constant 0 : i32
          %eq3A_616 = arith.cmpi eq, %jit3A_614, %eq3A_615 : i32
          %jit3A_617 = arith.constant 1 : i32
          %select_n3A_618 = arith.select %eq3A_616, %jit3A_617, %jit3A_614 : i32
          %rem3A_619 = arith.remsi %add3A_613, %select_n3A_618 : i32
          %ne3A_620 = arith.constant 0 : i32
          %ne3A_621 = arith.cmpi ne, %rem3A_619, %ne3A_620 : i32
          %lt3A_622 = arith.constant 0 : i32
          %lt3A_623 = arith.cmpi slt, %rem3A_619, %lt3A_622 : i32
          %lt3A_624 = arith.constant 0 : i32
          %lt3A_625 = arith.cmpi slt, %select_n3A_618, %lt3A_624 : i32
          %ne3A_626 = arith.xori %lt3A_623, %lt3A_625 : i1
          %and3A_627 = arith.andi %ne3A_626, %ne3A_621 : i1
          %add3A_628 = arith.addi %rem3A_619, %select_n3A_618 : i32
          %select_n3A_629 = arith.select %and3A_627, %add3A_628, %rem3A_619 : i32
          %mul3A_630 = arith.constant 4096 : i32
          %mul3A_631 = arith.muli %select_n3A_629, %mul3A_630 : i32
          %dma_start3A_632 = tpu.memref_slice %arg6[%mul3A_631] : memref<20480xi32, #tpu.memory_space<vmem>> -> memref<4096xi32, #tpu.memory_space<vmem>>
          %dma_start3A_633 = tpu.memref_slice %arg2[%add3A_611] : memref<819200xi32, #tpu.memory_space<hbm>> -> memref<4096xi32, #tpu.memory_space<hbm>>
          %dma_start3A_634 = tpu.memref_slice %arg6[%mul3A_631] : memref<20480xi32, #tpu.memory_space<vmem>> -> memref<4096xi32, #tpu.memory_space<vmem>>
          %dma_start3A_635 = tpu.memref_slice %arg2[%add3A_611] : memref<819200xi32, #tpu.memory_space<hbm>> -> memref<4096xi32, #tpu.memory_space<hbm>>
          tpu.enqueue_dma source(%dma_start3A_635 : memref<4096xi32, #tpu.memory_space<hbm>>) target(%dma_start3A_634 : memref<4096xi32, #tpu.memory_space<vmem>>) target_semaphore(%arg8 : memref<!tpu.dma_semaphore, #tpu.memory_space<semaphore_mem>>)
        } else {
        }
        %jit3A_443 = arith.constant 5 : i32
        %eq3A_444 = arith.constant 0 : i32
        %eq3A_445 = arith.cmpi eq, %jit3A_443, %eq3A_444 : i32
        %jit3A_446 = arith.constant 1 : i32
        %select_n3A_447 = arith.select %eq3A_445, %jit3A_446, %jit3A_443 : i32
        %rem3A_448 = arith.remsi %while3A_436, %select_n3A_447 : i32
        %ne3A_449 = arith.constant 0 : i32
        %ne3A_450 = arith.cmpi ne, %rem3A_448, %ne3A_449 : i32
        %lt3A_451 = arith.constant 0 : i32
        %lt3A_452 = arith.cmpi slt, %rem3A_448, %lt3A_451 : i32
        %lt3A_453 = arith.constant 0 : i32
        %lt3A_454 = arith.cmpi slt, %select_n3A_447, %lt3A_453 : i32
        %ne3A_455 = arith.xori %lt3A_452, %lt3A_454 : i1
        %and3A_456 = arith.andi %ne3A_455, %ne3A_450 : i1
        %add3A_457 = arith.addi %rem3A_448, %select_n3A_447 : i32
        %select_n3A_458 = arith.select %and3A_456, %add3A_457, %rem3A_448 : i32
        %mul3A_459 = arith.constant 4096 : i32
        %mul3A_460 = arith.muli %select_n3A_458, %mul3A_459 : i32
        %jit3A_461 = arith.constant 4 : i32
        %eq3A_462 = arith.constant 0 : i32
        %eq3A_463 = arith.cmpi eq, %jit3A_461, %eq3A_462 : i32
        %jit3A_464 = arith.constant 1 : i32
        %select_n3A_465 = arith.select %eq3A_463, %jit3A_464, %jit3A_461 : i32
        %rem3A_466 = arith.remsi %while3A_436, %select_n3A_465 : i32
        %ne3A_467 = arith.constant 0 : i32
        %ne3A_468 = arith.cmpi ne, %rem3A_466, %ne3A_467 : i32
        %lt3A_469 = arith.constant 0 : i32
        %lt3A_470 = arith.cmpi slt, %rem3A_466, %lt3A_469 : i32
        %lt3A_471 = arith.constant 0 : i32
        %lt3A_472 = arith.cmpi slt, %select_n3A_465, %lt3A_471 : i32
        %ne3A_473 = arith.xori %lt3A_470, %lt3A_472 : i1
        %and3A_474 = arith.andi %ne3A_473, %ne3A_468 : i1
        %add3A_475 = arith.addi %rem3A_466, %select_n3A_465 : i32
        %select_n3A_476 = arith.select %and3A_474, %add3A_475, %rem3A_466 : i32
        %mul3A_477 = arith.constant 4096 : i32
        %mul3A_478 = arith.muli %select_n3A_476, %mul3A_477 : i32
        %dma_wait3A_479 = tpu.memref_slice %arg7[%mul3A_478] : memref<16384xf32, #tpu.memory_space<vmem>> -> memref<4096xf32, #tpu.memory_space<vmem>>
        %dma_wait3A_480 = tpu.memref_slice %arg6[%mul3A_460] : memref<20480xi32, #tpu.memory_space<vmem>> -> memref<4096xi32, #tpu.memory_space<vmem>>
        %dma_wait3A_481 = arith.constant 0 : i32
        %dma_wait3A_482 = tpu.memref_slice %arg5[%dma_wait3A_481] : memref<1000000xf32, #tpu.memory_space<vmem_shared>> -> memref<1000000xf32, #tpu.memory_space<vmem_shared>>
        tpu.wait_indirect_dma semaphore(%arg9 : memref<!tpu.dma_semaphore, #tpu.memory_space<semaphore_mem>>) src(%dma_wait3A_482 : memref<1000000xf32, #tpu.memory_space<vmem_shared>>) dst(%dma_wait3A_479 : memref<4096xf32, #tpu.memory_space<vmem>>)
        %ge3A = arith.constant 1 : i32
        %ge3A_483 = arith.cmpi sge, %while3A_436, %ge3A : i32
        %convert_element_type3A_484 = arith.extui %ge3A_483 : i1 to i32
        %cond3A_485 = arith.constant 0 : i32
        %cond3A_486 = arith.cmpi ne, %convert_element_type3A_484, %cond3A_485 : i32
        scf.if %cond3A_486 {
          %sub3A_562 = arith.constant 1 : i32
          %sub3A_563 = arith.subi %while3A_436, %sub3A_562 : i32
          %jit3A_564 = arith.constant 4 : i32
          %eq3A_565 = arith.constant 0 : i32
          %eq3A_566 = arith.cmpi eq, %jit3A_564, %eq3A_565 : i32
          %jit3A_567 = arith.constant 1 : i32
          %select_n3A_568 = arith.select %eq3A_566, %jit3A_567, %jit3A_564 : i32
          %rem3A_569 = arith.remsi %sub3A_563, %select_n3A_568 : i32
          %ne3A_570 = arith.constant 0 : i32
          %ne3A_571 = arith.cmpi ne, %rem3A_569, %ne3A_570 : i32
          %lt3A_572 = arith.constant 0 : i32
          %lt3A_573 = arith.cmpi slt, %rem3A_569, %lt3A_572 : i32
          %lt3A_574 = arith.constant 0 : i32
          %lt3A_575 = arith.cmpi slt, %select_n3A_568, %lt3A_574 : i32
          %ne3A_576 = arith.xori %lt3A_573, %lt3A_575 : i1
          %and3A_577 = arith.andi %ne3A_576, %ne3A_571 : i1
          %add3A_578 = arith.addi %rem3A_569, %select_n3A_568 : i32
          %select_n3A_579 = arith.select %and3A_577, %add3A_578, %rem3A_569 : i32
          %mul3A_580 = arith.constant 4096 : i32
          %mul3A_581 = arith.muli %select_n3A_579, %mul3A_580 : i32
          %sub3A_582 = arith.constant 1 : i32
          %sub3A_583 = arith.subi %while3A_436, %sub3A_582 : i32
          %mul3A_584 = arith.constant 16 : i32
          %mul3A_585 = arith.muli %mul3A_584, %sub3A_583 : i32
          %add3A_586 = arith.addi %arg1, %mul3A_585 : i32
          %jit3A_587 = arith.constant 4 : i32
          %div3A_588 = arith.divsi %add3A_586, %jit3A_587 : i32
          %sign3A_589 = arith.constant 0 : i32
          %sign3A_590 = arith.cmpi sgt, %add3A_586, %sign3A_589 : i32
          %sign3A_591 = arith.extui %sign3A_590 : i1 to i32
          %sign3A_592 = arith.constant 0 : i32
          %sign3A_593 = arith.cmpi slt, %add3A_586, %sign3A_592 : i32
          %sign3A_594 = arith.extui %sign3A_593 : i1 to i32
          %sign3A_595 = arith.subi %sign3A_591, %sign3A_594 : i32
          %sign3A_596 = arith.constant 0 : i32
          %sign3A_597 = arith.cmpi sgt, %jit3A_587, %sign3A_596 : i32
          %sign3A_598 = arith.extui %sign3A_597 : i1 to i32
          %sign3A_599 = arith.constant 0 : i32
          %sign3A_600 = arith.cmpi slt, %jit3A_587, %sign3A_599 : i32
          %sign3A_601 = arith.extui %sign3A_600 : i1 to i32
          %sign3A_602 = arith.subi %sign3A_598, %sign3A_601 : i32
          %ne3A_603 = arith.cmpi ne, %sign3A_595, %sign3A_602 : i32
          %rem3A_604 = arith.remsi %add3A_586, %jit3A_587 : i32
          %ne3A_605 = arith.constant 0 : i32
          %ne3A_606 = arith.cmpi ne, %rem3A_604, %ne3A_605 : i32
          %and3A_607 = arith.andi %ne3A_603, %ne3A_606 : i1
          %sub3A_608 = arith.constant 1 : i32
          %sub3A_609 = arith.subi %div3A_588, %sub3A_608 : i32
          %select_n3A_610 = arith.select %and3A_607, %sub3A_609, %div3A_588 : i32
          %jit3A_611 = arith.constant 4 : i32
          %eq3A_612 = arith.constant 0 : i32
          %eq3A_613 = arith.cmpi eq, %jit3A_611, %eq3A_612 : i32
          %jit3A_614 = arith.constant 1 : i32
          %select_n3A_615 = arith.select %eq3A_613, %jit3A_614, %jit3A_611 : i32
          %rem3A_616 = arith.remsi %add3A_586, %select_n3A_615 : i32
          %ne3A_617 = arith.constant 0 : i32
          %ne3A_618 = arith.cmpi ne, %rem3A_616, %ne3A_617 : i32
          %lt3A_619 = arith.constant 0 : i32
          %lt3A_620 = arith.cmpi slt, %rem3A_616, %lt3A_619 : i32
          %lt3A_621 = arith.constant 0 : i32
          %lt3A_622 = arith.cmpi slt, %select_n3A_615, %lt3A_621 : i32
          %ne3A_623 = arith.xori %lt3A_620, %lt3A_622 : i1
          %and3A_624 = arith.andi %ne3A_623, %ne3A_618 : i1
          %add3A_625 = arith.addi %rem3A_616, %select_n3A_615 : i32
          %select_n3A_626 = arith.select %and3A_624, %add3A_625, %rem3A_616 : i32
          %mul3A_627 = arith.constant 4096 : i32
          %mul3A_628 = arith.muli %select_n3A_626, %mul3A_627 : i32
          %dma_wait3A_629 = tpu.memref_slice %arg7[%mul3A_581] : memref<16384xf32, #tpu.memory_space<vmem>> -> memref<4096xf32, #tpu.memory_space<vmem>>
          %dma_wait3A_630 = tpu.memref_slice %arg4[%select_n3A_610, %add3A_32, %mul3A_628] : memref<50x64x16384xf32, #tpu.memory_space<hbm>> -> memref<1x1x4096xf32, #tpu.memory_space<hbm>>
          %dma_wait3A_631 = tpu.memref_squeeze %dma_wait3A_630 : memref<1x1x4096xf32, #tpu.memory_space<hbm>> -> memref<4096xf32, #tpu.memory_space<hbm>>
          %dma_wait3A_632 = tpu.memref_slice %arg4[%select_n3A_610, %add3A_32, %mul3A_628] : memref<50x64x16384xf32, #tpu.memory_space<hbm>> -> memref<1x1x4096xf32, #tpu.memory_space<hbm>>
          %dma_wait3A_633 = tpu.memref_squeeze %dma_wait3A_632 : memref<1x1x4096xf32, #tpu.memory_space<hbm>> -> memref<4096xf32, #tpu.memory_space<hbm>>
          %dma_wait3A_634 = tpu.memref_slice %arg7[%mul3A_581] : memref<16384xf32, #tpu.memory_space<vmem>> -> memref<4096xf32, #tpu.memory_space<vmem>>
          tpu.wait_dma2 semaphore(%arg10 : memref<!tpu.dma_semaphore, #tpu.memory_space<semaphore_mem>>) src(%dma_wait3A_634 : memref<4096xf32, #tpu.memory_space<vmem>>) dst(%dma_wait3A_633 : memref<4096xf32, #tpu.memory_space<hbm>>)
        } else {
        }
        %add3A_487 = arith.constant 3 : i32
        %add3A_488 = arith.addi %while3A_436, %add3A_487 : i32
        %lt3A_489 = arith.cmpi slt, %add3A_488, %select_n3A : i32
        %convert_element_type3A_490 = arith.extui %lt3A_489 : i1 to i32
        %cond3A_491 = arith.constant 0 : i32
        %cond3A_492 = arith.cmpi ne, %convert_element_type3A_490, %cond3A_491 : i32
        scf.if %cond3A_492 {
          %add3A_562 = arith.constant 3 : i32
          %add3A_563 = arith.addi %while3A_436, %add3A_562 : i32
          %mul3A_564 = arith.constant 16 : i32
          %mul3A_565 = arith.muli %mul3A_564, %add3A_563 : i32
          %add3A_566 = arith.addi %arg1, %mul3A_565 : i32
          %jit3A_567 = arith.constant 4 : i32
          %div3A_568 = arith.divsi %add3A_566, %jit3A_567 : i32
          %sign3A_569 = arith.constant 0 : i32
          %sign3A_570 = arith.cmpi sgt, %add3A_566, %sign3A_569 : i32
          %sign3A_571 = arith.extui %sign3A_570 : i1 to i32
          %sign3A_572 = arith.constant 0 : i32
          %sign3A_573 = arith.cmpi slt, %add3A_566, %sign3A_572 : i32
          %sign3A_574 = arith.extui %sign3A_573 : i1 to i32
          %sign3A_575 = arith.subi %sign3A_571, %sign3A_574 : i32
          %sign3A_576 = arith.constant 0 : i32
          %sign3A_577 = arith.cmpi sgt, %jit3A_567, %sign3A_576 : i32
          %sign3A_578 = arith.extui %sign3A_577 : i1 to i32
          %sign3A_579 = arith.constant 0 : i32
          %sign3A_580 = arith.cmpi slt, %jit3A_567, %sign3A_579 : i32
          %sign3A_581 = arith.extui %sign3A_580 : i1 to i32
          %sign3A_582 = arith.subi %sign3A_578, %sign3A_581 : i32
          %ne3A_583 = arith.cmpi ne, %sign3A_575, %sign3A_582 : i32
          %rem3A_584 = arith.remsi %add3A_566, %jit3A_567 : i32
          %ne3A_585 = arith.constant 0 : i32
          %ne3A_586 = arith.cmpi ne, %rem3A_584, %ne3A_585 : i32
          %and3A_587 = arith.andi %ne3A_583, %ne3A_586 : i1
          %sub3A_588 = arith.constant 1 : i32
          %sub3A_589 = arith.subi %div3A_568, %sub3A_588 : i32
          %select_n3A_590 = arith.select %and3A_587, %sub3A_589, %div3A_568 : i32
          %jit3A_591 = arith.constant 4 : i32
          %eq3A_592 = arith.constant 0 : i32
          %eq3A_593 = arith.cmpi eq, %jit3A_591, %eq3A_592 : i32
          %jit3A_594 = arith.constant 1 : i32
          %select_n3A_595 = arith.select %eq3A_593, %jit3A_594, %jit3A_591 : i32
          %rem3A_596 = arith.remsi %add3A_566, %select_n3A_595 : i32
          %ne3A_597 = arith.constant 0 : i32
          %ne3A_598 = arith.cmpi ne, %rem3A_596, %ne3A_597 : i32
          %lt3A_599 = arith.constant 0 : i32
          %lt3A_600 = arith.cmpi slt, %rem3A_596, %lt3A_599 : i32
          %lt3A_601 = arith.constant 0 : i32
          %lt3A_602 = arith.cmpi slt, %select_n3A_595, %lt3A_601 : i32
          %ne3A_603 = arith.xori %lt3A_600, %lt3A_602 : i1
          %and3A_604 = arith.andi %ne3A_603, %ne3A_598 : i1
          %add3A_605 = arith.addi %rem3A_596, %select_n3A_595 : i32
          %select_n3A_606 = arith.select %and3A_604, %add3A_605, %rem3A_596 : i32
          %mul3A_607 = arith.constant 16384 : i32
          %mul3A_608 = arith.muli %select_n3A_590, %mul3A_607 : i32
          %mul3A_609 = arith.constant 4096 : i32
          %mul3A_610 = arith.muli %select_n3A_606, %mul3A_609 : i32
          %add3A_611 = arith.addi %mul3A_608, %mul3A_610 : i32
          %add3A_612 = arith.constant 3 : i32
          %add3A_613 = arith.addi %while3A_436, %add3A_612 : i32
          %jit3A_614 = arith.constant 5 : i32
          %eq3A_615 = arith.constant 0 : i32
          %eq3A_616 = arith.cmpi eq, %jit3A_614, %eq3A_615 : i32
          %jit3A_617 = arith.constant 1 : i32
          %select_n3A_618 = arith.select %eq3A_616, %jit3A_617, %jit3A_614 : i32
          %rem3A_619 = arith.remsi %add3A_613, %select_n3A_618 : i32
          %ne3A_620 = arith.constant 0 : i32
          %ne3A_621 = arith.cmpi ne, %rem3A_619, %ne3A_620 : i32
          %lt3A_622 = arith.constant 0 : i32
          %lt3A_623 = arith.cmpi slt, %rem3A_619, %lt3A_622 : i32
          %lt3A_624 = arith.constant 0 : i32
          %lt3A_625 = arith.cmpi slt, %select_n3A_618, %lt3A_624 : i32
          %ne3A_626 = arith.xori %lt3A_623, %lt3A_625 : i1
          %and3A_627 = arith.andi %ne3A_626, %ne3A_621 : i1
          %add3A_628 = arith.addi %rem3A_619, %select_n3A_618 : i32
          %select_n3A_629 = arith.select %and3A_627, %add3A_628, %rem3A_619 : i32
          %mul3A_630 = arith.constant 4096 : i32
          %mul3A_631 = arith.muli %select_n3A_629, %mul3A_630 : i32
          %dma_wait3A_632 = tpu.memref_slice %arg6[%mul3A_631] : memref<20480xi32, #tpu.memory_space<vmem>> -> memref<4096xi32, #tpu.memory_space<vmem>>
          %dma_wait3A_633 = tpu.memref_slice %arg2[%add3A_611] : memref<819200xi32, #tpu.memory_space<hbm>> -> memref<4096xi32, #tpu.memory_space<hbm>>
          %dma_wait3A_634 = tpu.memref_slice %arg6[%mul3A_631] : memref<20480xi32, #tpu.memory_space<vmem>> -> memref<4096xi32, #tpu.memory_space<vmem>>
          %dma_wait3A_635 = tpu.memref_slice %arg2[%add3A_611] : memref<819200xi32, #tpu.memory_space<hbm>> -> memref<4096xi32, #tpu.memory_space<hbm>>
          tpu.wait_dma2 semaphore(%arg8 : memref<!tpu.dma_semaphore, #tpu.memory_space<semaphore_mem>>) src(%dma_wait3A_635 : memref<4096xi32, #tpu.memory_space<hbm>>) dst(%dma_wait3A_634 : memref<4096xi32, #tpu.memory_space<vmem>>)
          %add3A_636 = arith.constant 3 : i32
          %add3A_637 = arith.addi %while3A_436, %add3A_636 : i32
          %jit3A_638 = arith.constant 5 : i32
          %eq3A_639 = arith.constant 0 : i32
          %eq3A_640 = arith.cmpi eq, %jit3A_638, %eq3A_639 : i32
          %jit3A_641 = arith.constant 1 : i32
          %select_n3A_642 = arith.select %eq3A_640, %jit3A_641, %jit3A_638 : i32
          %rem3A_643 = arith.remsi %add3A_637, %select_n3A_642 : i32
          %ne3A_644 = arith.constant 0 : i32
          %ne3A_645 = arith.cmpi ne, %rem3A_643, %ne3A_644 : i32
          %lt3A_646 = arith.constant 0 : i32
          %lt3A_647 = arith.cmpi slt, %rem3A_643, %lt3A_646 : i32
          %lt3A_648 = arith.constant 0 : i32
          %lt3A_649 = arith.cmpi slt, %select_n3A_642, %lt3A_648 : i32
          %ne3A_650 = arith.xori %lt3A_647, %lt3A_649 : i1
          %and3A_651 = arith.andi %ne3A_650, %ne3A_645 : i1
          %add3A_652 = arith.addi %rem3A_643, %select_n3A_642 : i32
          %select_n3A_653 = arith.select %and3A_651, %add3A_652, %rem3A_643 : i32
          %mul3A_654 = arith.constant 4096 : i32
          %mul3A_655 = arith.muli %select_n3A_653, %mul3A_654 : i32
          %add3A_656 = arith.constant 3 : i32
          %add3A_657 = arith.addi %while3A_436, %add3A_656 : i32
          %jit3A_658 = arith.constant 4 : i32
          %eq3A_659 = arith.constant 0 : i32
          %eq3A_660 = arith.cmpi eq, %jit3A_658, %eq3A_659 : i32
          %jit3A_661 = arith.constant 1 : i32
          %select_n3A_662 = arith.select %eq3A_660, %jit3A_661, %jit3A_658 : i32
          %rem3A_663 = arith.remsi %add3A_657, %select_n3A_662 : i32
          %ne3A_664 = arith.constant 0 : i32
          %ne3A_665 = arith.cmpi ne, %rem3A_663, %ne3A_664 : i32
          %lt3A_666 = arith.constant 0 : i32
          %lt3A_667 = arith.cmpi slt, %rem3A_663, %lt3A_666 : i32
          %lt3A_668 = arith.constant 0 : i32
          %lt3A_669 = arith.cmpi slt, %select_n3A_662, %lt3A_668 : i32
          %ne3A_670 = arith.xori %lt3A_667, %lt3A_669 : i1
          %and3A_671 = arith.andi %ne3A_670, %ne3A_665 : i1
          %add3A_672 = arith.addi %rem3A_663, %select_n3A_662 : i32
          %select_n3A_673 = arith.select %and3A_671, %add3A_672, %rem3A_663 : i32
          %mul3A_674 = arith.constant 4096 : i32
          %mul3A_675 = arith.muli %select_n3A_673, %mul3A_674 : i32
          %dma_start3A_676 = tpu.memref_slice %arg7[%mul3A_675] : memref<16384xf32, #tpu.memory_space<vmem>> -> memref<4096xf32, #tpu.memory_space<vmem>>
          %dma_start3A_677 = tpu.memref_slice %arg6[%mul3A_655] : memref<20480xi32, #tpu.memory_space<vmem>> -> memref<4096xi32, #tpu.memory_space<vmem>>
          %dma_start3A_678 = arith.constant 0 : i32
          %dma_start3A_679 = tpu.memref_slice %arg5[%dma_start3A_678] : memref<1000000xf32, #tpu.memory_space<vmem_shared>> -> memref<1000000xf32, #tpu.memory_space<vmem_shared>>
          tpu.enqueue_indirect_dma source(%dma_start3A_679 : memref<1000000xf32, #tpu.memory_space<vmem_shared>>) target(%dma_start3A_676 : memref<4096xf32, #tpu.memory_space<vmem>>) offsets(%dma_start3A_677 : memref<4096xi32, #tpu.memory_space<vmem>>) semaphore(%arg9 : memref<!tpu.dma_semaphore, #tpu.memory_space<semaphore_mem>>)
        } else {
        }
        %jit3A_493 = arith.constant 4 : i32
        %eq3A_494 = arith.constant 0 : i32
        %eq3A_495 = arith.cmpi eq, %jit3A_493, %eq3A_494 : i32
        %jit3A_496 = arith.constant 1 : i32
        %select_n3A_497 = arith.select %eq3A_495, %jit3A_496, %jit3A_493 : i32
        %rem3A_498 = arith.remsi %while3A_436, %select_n3A_497 : i32
        %ne3A_499 = arith.constant 0 : i32
        %ne3A_500 = arith.cmpi ne, %rem3A_498, %ne3A_499 : i32
        %lt3A_501 = arith.constant 0 : i32
        %lt3A_502 = arith.cmpi slt, %rem3A_498, %lt3A_501 : i32
        %lt3A_503 = arith.constant 0 : i32
        %lt3A_504 = arith.cmpi slt, %select_n3A_497, %lt3A_503 : i32
        %ne3A_505 = arith.xori %lt3A_502, %lt3A_504 : i1
        %and3A_506 = arith.andi %ne3A_505, %ne3A_500 : i1
        %add3A_507 = arith.addi %rem3A_498, %select_n3A_497 : i32
        %select_n3A_508 = arith.select %and3A_506, %add3A_507, %rem3A_498 : i32
        %mul3A_509 = arith.constant 4096 : i32
        %mul3A_510 = arith.muli %select_n3A_508, %mul3A_509 : i32
        %mul3A_511 = arith.constant 16 : i32
        %mul3A_512 = arith.muli %mul3A_511, %while3A_436 : i32
        %add3A_513 = arith.addi %arg1, %mul3A_512 : i32
        %jit3A_514 = arith.constant 4 : i32
        %div3A_515 = arith.divsi %add3A_513, %jit3A_514 : i32
        %sign3A_516 = arith.constant 0 : i32
        %sign3A_517 = arith.cmpi sgt, %add3A_513, %sign3A_516 : i32
        %sign3A_518 = arith.extui %sign3A_517 : i1 to i32
        %sign3A_519 = arith.constant 0 : i32
        %sign3A_520 = arith.cmpi slt, %add3A_513, %sign3A_519 : i32
        %sign3A_521 = arith.extui %sign3A_520 : i1 to i32
        %sign3A_522 = arith.subi %sign3A_518, %sign3A_521 : i32
        %sign3A_523 = arith.constant 0 : i32
        %sign3A_524 = arith.cmpi sgt, %jit3A_514, %sign3A_523 : i32
        %sign3A_525 = arith.extui %sign3A_524 : i1 to i32
        %sign3A_526 = arith.constant 0 : i32
        %sign3A_527 = arith.cmpi slt, %jit3A_514, %sign3A_526 : i32
        %sign3A_528 = arith.extui %sign3A_527 : i1 to i32
        %sign3A_529 = arith.subi %sign3A_525, %sign3A_528 : i32
        %ne3A_530 = arith.cmpi ne, %sign3A_522, %sign3A_529 : i32
        %rem3A_531 = arith.remsi %add3A_513, %jit3A_514 : i32
        %ne3A_532 = arith.constant 0 : i32
        %ne3A_533 = arith.cmpi ne, %rem3A_531, %ne3A_532 : i32
        %and3A_534 = arith.andi %ne3A_530, %ne3A_533 : i1
        %sub3A_535 = arith.constant 1 : i32
        %sub3A_536 = arith.subi %div3A_515, %sub3A_535 : i32
        %select_n3A_537 = arith.select %and3A_534, %sub3A_536, %div3A_515 : i32
        %jit3A_538 = arith.constant 4 : i32
        %eq3A_539 = arith.constant 0 : i32
        %eq3A_540 = arith.cmpi eq, %jit3A_538, %eq3A_539 : i32
        %jit3A_541 = arith.constant 1 : i32
        %select_n3A_542 = arith.select %eq3A_540, %jit3A_541, %jit3A_538 : i32
        %rem3A_543 = arith.remsi %add3A_513, %select_n3A_542 : i32
        %ne3A_544 = arith.constant 0 : i32
        %ne3A_545 = arith.cmpi ne, %rem3A_543, %ne3A_544 : i32
        %lt3A_546 = arith.constant 0 : i32
        %lt3A_547 = arith.cmpi slt, %rem3A_543, %lt3A_546 : i32
        %lt3A_548 = arith.constant 0 : i32
        %lt3A_549 = arith.cmpi slt, %select_n3A_542, %lt3A_548 : i32
        %ne3A_550 = arith.xori %lt3A_547, %lt3A_549 : i1
        %and3A_551 = arith.andi %ne3A_550, %ne3A_545 : i1
        %add3A_552 = arith.addi %rem3A_543, %select_n3A_542 : i32
        %select_n3A_553 = arith.select %and3A_551, %add3A_552, %rem3A_543 : i32
        %mul3A_554 = arith.constant 4096 : i32
        %mul3A_555 = arith.muli %select_n3A_553, %mul3A_554 : i32
        %dma_start3A_556 = tpu.memref_slice %arg7[%mul3A_510] : memref<16384xf32, #tpu.memory_space<vmem>> -> memref<4096xf32, #tpu.memory_space<vmem>>
        %dma_start3A_557 = tpu.memref_slice %arg4[%select_n3A_537, %add3A_32, %mul3A_555] : memref<50x64x16384xf32, #tpu.memory_space<hbm>> -> memref<1x1x4096xf32, #tpu.memory_space<hbm>>
        %dma_start3A_558 = tpu.memref_squeeze %dma_start3A_557 : memref<1x1x4096xf32, #tpu.memory_space<hbm>> -> memref<4096xf32, #tpu.memory_space<hbm>>
        %dma_start3A_559 = tpu.memref_slice %arg4[%select_n3A_537, %add3A_32, %mul3A_555] : memref<50x64x16384xf32, #tpu.memory_space<hbm>> -> memref<1x1x4096xf32, #tpu.memory_space<hbm>>
        %dma_start3A_560 = tpu.memref_squeeze %dma_start3A_559 : memref<1x1x4096xf32, #tpu.memory_space<hbm>> -> memref<4096xf32, #tpu.memory_space<hbm>>
        %dma_start3A_561 = tpu.memref_slice %arg7[%mul3A_510] : memref<16384xf32, #tpu.memory_space<vmem>> -> memref<4096xf32, #tpu.memory_space<vmem>>
        tpu.enqueue_dma source(%dma_start3A_561 : memref<4096xf32, #tpu.memory_space<vmem>>) target(%dma_start3A_560 : memref<4096xf32, #tpu.memory_space<hbm>>) target_semaphore(%arg10 : memref<!tpu.dma_semaphore, #tpu.memory_space<semaphore_mem>>)
      }
      %while3A_435 = arith.constant 1 : i32
      scf.for %while3A_436 = %while3A_433 to %while3A_429 step %while3A_435  : i32 {
        %add3A_437 = arith.constant 4 : i32
        %add3A_438 = arith.addi %while3A_436, %add3A_437 : i32
        %lt3A_439 = arith.cmpi slt, %add3A_438, %select_n3A : i32
        %convert_element_type3A_440 = arith.extui %lt3A_439 : i1 to i32
        %cond3A_441 = arith.constant 0 : i32
        %cond3A_442 = arith.cmpi ne, %convert_element_type3A_440, %cond3A_441 : i32
        scf.if %cond3A_442 {
          %add3A_562 = arith.constant 4 : i32
          %add3A_563 = arith.addi %while3A_436, %add3A_562 : i32
          %mul3A_564 = arith.constant 16 : i32
          %mul3A_565 = arith.muli %mul3A_564, %add3A_563 : i32
          %add3A_566 = arith.addi %arg1, %mul3A_565 : i32
          %jit3A_567 = arith.constant 4 : i32
          %div3A_568 = arith.divsi %add3A_566, %jit3A_567 : i32
          %sign3A_569 = arith.constant 0 : i32
          %sign3A_570 = arith.cmpi sgt, %add3A_566, %sign3A_569 : i32
          %sign3A_571 = arith.extui %sign3A_570 : i1 to i32
          %sign3A_572 = arith.constant 0 : i32
          %sign3A_573 = arith.cmpi slt, %add3A_566, %sign3A_572 : i32
          %sign3A_574 = arith.extui %sign3A_573 : i1 to i32
          %sign3A_575 = arith.subi %sign3A_571, %sign3A_574 : i32
          %sign3A_576 = arith.constant 0 : i32
          %sign3A_577 = arith.cmpi sgt, %jit3A_567, %sign3A_576 : i32
          %sign3A_578 = arith.extui %sign3A_577 : i1 to i32
          %sign3A_579 = arith.constant 0 : i32
          %sign3A_580 = arith.cmpi slt, %jit3A_567, %sign3A_579 : i32
          %sign3A_581 = arith.extui %sign3A_580 : i1 to i32
          %sign3A_582 = arith.subi %sign3A_578, %sign3A_581 : i32
          %ne3A_583 = arith.cmpi ne, %sign3A_575, %sign3A_582 : i32
          %rem3A_584 = arith.remsi %add3A_566, %jit3A_567 : i32
          %ne3A_585 = arith.constant 0 : i32
          %ne3A_586 = arith.cmpi ne, %rem3A_584, %ne3A_585 : i32
          %and3A_587 = arith.andi %ne3A_583, %ne3A_586 : i1
          %sub3A_588 = arith.constant 1 : i32
          %sub3A_589 = arith.subi %div3A_568, %sub3A_588 : i32
          %select_n3A_590 = arith.select %and3A_587, %sub3A_589, %div3A_568 : i32
          %jit3A_591 = arith.constant 4 : i32
          %eq3A_592 = arith.constant 0 : i32
          %eq3A_593 = arith.cmpi eq, %jit3A_591, %eq3A_592 : i32
          %jit3A_594 = arith.constant 1 : i32
          %select_n3A_595 = arith.select %eq3A_593, %jit3A_594, %jit3A_591 : i32
          %rem3A_596 = arith.remsi %add3A_566, %select_n3A_595 : i32
          %ne3A_597 = arith.constant 0 : i32
          %ne3A_598 = arith.cmpi ne, %rem3A_596, %ne3A_597 : i32
          %lt3A_599 = arith.constant 0 : i32
          %lt3A_600 = arith.cmpi slt, %rem3A_596, %lt3A_599 : i32
          %lt3A_601 = arith.constant 0 : i32
          %lt3A_602 = arith.cmpi slt, %select_n3A_595, %lt3A_601 : i32
          %ne3A_603 = arith.xori %lt3A_600, %lt3A_602 : i1
          %and3A_604 = arith.andi %ne3A_603, %ne3A_598 : i1
          %add3A_605 = arith.addi %rem3A_596, %select_n3A_595 : i32
          %select_n3A_606 = arith.select %and3A_604, %add3A_605, %rem3A_596 : i32
          %mul3A_607 = arith.constant 16384 : i32
          %mul3A_608 = arith.muli %select_n3A_590, %mul3A_607 : i32
          %mul3A_609 = arith.constant 4096 : i32
          %mul3A_610 = arith.muli %select_n3A_606, %mul3A_609 : i32
          %add3A_611 = arith.addi %mul3A_608, %mul3A_610 : i32
          %add3A_612 = arith.constant 4 : i32
          %add3A_613 = arith.addi %while3A_436, %add3A_612 : i32
          %jit3A_614 = arith.constant 5 : i32
          %eq3A_615 = arith.constant 0 : i32
          %eq3A_616 = arith.cmpi eq, %jit3A_614, %eq3A_615 : i32
          %jit3A_617 = arith.constant 1 : i32
          %select_n3A_618 = arith.select %eq3A_616, %jit3A_617, %jit3A_614 : i32
          %rem3A_619 = arith.remsi %add3A_613, %select_n3A_618 : i32
          %ne3A_620 = arith.constant 0 : i32
          %ne3A_621 = arith.cmpi ne, %rem3A_619, %ne3A_620 : i32
          %lt3A_622 = arith.constant 0 : i32
          %lt3A_623 = arith.cmpi slt, %rem3A_619, %lt3A_622 : i32
          %lt3A_624 = arith.constant 0 : i32
          %lt3A_625 = arith.cmpi slt, %select_n3A_618, %lt3A_624 : i32
          %ne3A_626 = arith.xori %lt3A_623, %lt3A_625 : i1
          %and3A_627 = arith.andi %ne3A_626, %ne3A_621 : i1
          %add3A_628 = arith.addi %rem3A_619, %select_n3A_618 : i32
          %select_n3A_629 = arith.select %and3A_627, %add3A_628, %rem3A_619 : i32
          %mul3A_630 = arith.constant 4096 : i32
          %mul3A_631 = arith.muli %select_n3A_629, %mul3A_630 : i32
          %dma_start3A_632 = tpu.memref_slice %arg6[%mul3A_631] : memref<20480xi32, #tpu.memory_space<vmem>> -> memref<4096xi32, #tpu.memory_space<vmem>>
          %dma_start3A_633 = tpu.memref_slice %arg2[%add3A_611] : memref<819200xi32, #tpu.memory_space<hbm>> -> memref<4096xi32, #tpu.memory_space<hbm>>
          %dma_start3A_634 = tpu.memref_slice %arg6[%mul3A_631] : memref<20480xi32, #tpu.memory_space<vmem>> -> memref<4096xi32, #tpu.memory_space<vmem>>
          %dma_start3A_635 = tpu.memref_slice %arg2[%add3A_611] : memref<819200xi32, #tpu.memory_space<hbm>> -> memref<4096xi32, #tpu.memory_space<hbm>>
          tpu.enqueue_dma source(%dma_start3A_635 : memref<4096xi32, #tpu.memory_space<hbm>>) target(%dma_start3A_634 : memref<4096xi32, #tpu.memory_space<vmem>>) target_semaphore(%arg8 : memref<!tpu.dma_semaphore, #tpu.memory_space<semaphore_mem>>)
        } else {
        }
        %jit3A_443 = arith.constant 5 : i32
        %eq3A_444 = arith.constant 0 : i32
        %eq3A_445 = arith.cmpi eq, %jit3A_443, %eq3A_444 : i32
        %jit3A_446 = arith.constant 1 : i32
        %select_n3A_447 = arith.select %eq3A_445, %jit3A_446, %jit3A_443 : i32
        %rem3A_448 = arith.remsi %while3A_436, %select_n3A_447 : i32
        %ne3A_449 = arith.constant 0 : i32
        %ne3A_450 = arith.cmpi ne, %rem3A_448, %ne3A_449 : i32
        %lt3A_451 = arith.constant 0 : i32
        %lt3A_452 = arith.cmpi slt, %rem3A_448, %lt3A_451 : i32
        %lt3A_453 = arith.constant 0 : i32
        %lt3A_454 = arith.cmpi slt, %select_n3A_447, %lt3A_453 : i32
        %ne3A_455 = arith.xori %lt3A_452, %lt3A_454 : i1
        %and3A_456 = arith.andi %ne3A_455, %ne3A_450 : i1
        %add3A_457 = arith.addi %rem3A_448, %select_n3A_447 : i32
        %select_n3A_458 = arith.select %and3A_456, %add3A_457, %rem3A_448 : i32
        %mul3A_459 = arith.constant 4096 : i32
        %mul3A_460 = arith.muli %select_n3A_458, %mul3A_459 : i32
        %jit3A_461 = arith.constant 4 : i32
        %eq3A_462 = arith.constant 0 : i32
        %eq3A_463 = arith.cmpi eq, %jit3A_461, %eq3A_462 : i32
        %jit3A_464 = arith.constant 1 : i32
        %select_n3A_465 = arith.select %eq3A_463, %jit3A_464, %jit3A_461 : i32
        %rem3A_466 = arith.remsi %while3A_436, %select_n3A_465 : i32
        %ne3A_467 = arith.constant 0 : i32
        %ne3A_468 = arith.cmpi ne, %rem3A_466, %ne3A_467 : i32
        %lt3A_469 = arith.constant 0 : i32
        %lt3A_470 = arith.cmpi slt, %rem3A_466, %lt3A_469 : i32
        %lt3A_471 = arith.constant 0 : i32
        %lt3A_472 = arith.cmpi slt, %select_n3A_465, %lt3A_471 : i32
        %ne3A_473 = arith.xori %lt3A_470, %lt3A_472 : i1
        %and3A_474 = arith.andi %ne3A_473, %ne3A_468 : i1
        %add3A_475 = arith.addi %rem3A_466, %select_n3A_465 : i32
        %select_n3A_476 = arith.select %and3A_474, %add3A_475, %rem3A_466 : i32
        %mul3A_477 = arith.constant 4096 : i32
        %mul3A_478 = arith.muli %select_n3A_476, %mul3A_477 : i32
        %dma_wait3A_479 = tpu.memref_slice %arg7[%mul3A_478] : memref<16384xf32, #tpu.memory_space<vmem>> -> memref<4096xf32, #tpu.memory_space<vmem>>
        %dma_wait3A_480 = tpu.memref_slice %arg6[%mul3A_460] : memref<20480xi32, #tpu.memory_space<vmem>> -> memref<4096xi32, #tpu.memory_space<vmem>>
        %dma_wait3A_481 = arith.constant 0 : i32
        %dma_wait3A_482 = tpu.memref_slice %arg5[%dma_wait3A_481] : memref<1000000xf32, #tpu.memory_space<vmem_shared>> -> memref<1000000xf32, #tpu.memory_space<vmem_shared>>
        tpu.wait_indirect_dma semaphore(%arg9 : memref<!tpu.dma_semaphore, #tpu.memory_space<semaphore_mem>>) src(%dma_wait3A_482 : memref<1000000xf32, #tpu.memory_space<vmem_shared>>) dst(%dma_wait3A_479 : memref<4096xf32, #tpu.memory_space<vmem>>)
        %ge3A = arith.constant 1 : i32
        %ge3A_483 = arith.cmpi sge, %while3A_436, %ge3A : i32
        %convert_element_type3A_484 = arith.extui %ge3A_483 : i1 to i32
        %cond3A_485 = arith.constant 0 : i32
        %cond3A_486 = arith.cmpi ne, %convert_element_type3A_484, %cond3A_485 : i32
        scf.if %cond3A_486 {
          %sub3A_562 = arith.constant 1 : i32
          %sub3A_563 = arith.subi %while3A_436, %sub3A_562 : i32
          %jit3A_564 = arith.constant 4 : i32
          %eq3A_565 = arith.constant 0 : i32
          %eq3A_566 = arith.cmpi eq, %jit3A_564, %eq3A_565 : i32
          %jit3A_567 = arith.constant 1 : i32
          %select_n3A_568 = arith.select %eq3A_566, %jit3A_567, %jit3A_564 : i32
          %rem3A_569 = arith.remsi %sub3A_563, %select_n3A_568 : i32
          %ne3A_570 = arith.constant 0 : i32
          %ne3A_571 = arith.cmpi ne, %rem3A_569, %ne3A_570 : i32
          %lt3A_572 = arith.constant 0 : i32
          %lt3A_573 = arith.cmpi slt, %rem3A_569, %lt3A_572 : i32
          %lt3A_574 = arith.constant 0 : i32
          %lt3A_575 = arith.cmpi slt, %select_n3A_568, %lt3A_574 : i32
          %ne3A_576 = arith.xori %lt3A_573, %lt3A_575 : i1
          %and3A_577 = arith.andi %ne3A_576, %ne3A_571 : i1
          %add3A_578 = arith.addi %rem3A_569, %select_n3A_568 : i32
          %select_n3A_579 = arith.select %and3A_577, %add3A_578, %rem3A_569 : i32
          %mul3A_580 = arith.constant 4096 : i32
          %mul3A_581 = arith.muli %select_n3A_579, %mul3A_580 : i32
          %sub3A_582 = arith.constant 1 : i32
          %sub3A_583 = arith.subi %while3A_436, %sub3A_582 : i32
          %mul3A_584 = arith.constant 16 : i32
          %mul3A_585 = arith.muli %mul3A_584, %sub3A_583 : i32
          %add3A_586 = arith.addi %arg1, %mul3A_585 : i32
          %jit3A_587 = arith.constant 4 : i32
          %div3A_588 = arith.divsi %add3A_586, %jit3A_587 : i32
          %sign3A_589 = arith.constant 0 : i32
          %sign3A_590 = arith.cmpi sgt, %add3A_586, %sign3A_589 : i32
          %sign3A_591 = arith.extui %sign3A_590 : i1 to i32
          %sign3A_592 = arith.constant 0 : i32
          %sign3A_593 = arith.cmpi slt, %add3A_586, %sign3A_592 : i32
          %sign3A_594 = arith.extui %sign3A_593 : i1 to i32
          %sign3A_595 = arith.subi %sign3A_591, %sign3A_594 : i32
          %sign3A_596 = arith.constant 0 : i32
          %sign3A_597 = arith.cmpi sgt, %jit3A_587, %sign3A_596 : i32
          %sign3A_598 = arith.extui %sign3A_597 : i1 to i32
          %sign3A_599 = arith.constant 0 : i32
          %sign3A_600 = arith.cmpi slt, %jit3A_587, %sign3A_599 : i32
          %sign3A_601 = arith.extui %sign3A_600 : i1 to i32
          %sign3A_602 = arith.subi %sign3A_598, %sign3A_601 : i32
          %ne3A_603 = arith.cmpi ne, %sign3A_595, %sign3A_602 : i32
          %rem3A_604 = arith.remsi %add3A_586, %jit3A_587 : i32
          %ne3A_605 = arith.constant 0 : i32
          %ne3A_606 = arith.cmpi ne, %rem3A_604, %ne3A_605 : i32
          %and3A_607 = arith.andi %ne3A_603, %ne3A_606 : i1
          %sub3A_608 = arith.constant 1 : i32
          %sub3A_609 = arith.subi %div3A_588, %sub3A_608 : i32
          %select_n3A_610 = arith.select %and3A_607, %sub3A_609, %div3A_588 : i32
          %jit3A_611 = arith.constant 4 : i32
          %eq3A_612 = arith.constant 0 : i32
          %eq3A_613 = arith.cmpi eq, %jit3A_611, %eq3A_612 : i32
          %jit3A_614 = arith.constant 1 : i32
          %select_n3A_615 = arith.select %eq3A_613, %jit3A_614, %jit3A_611 : i32
          %rem3A_616 = arith.remsi %add3A_586, %select_n3A_615 : i32
          %ne3A_617 = arith.constant 0 : i32
          %ne3A_618 = arith.cmpi ne, %rem3A_616, %ne3A_617 : i32
          %lt3A_619 = arith.constant 0 : i32
          %lt3A_620 = arith.cmpi slt, %rem3A_616, %lt3A_619 : i32
          %lt3A_621 = arith.constant 0 : i32
          %lt3A_622 = arith.cmpi slt, %select_n3A_615, %lt3A_621 : i32
          %ne3A_623 = arith.xori %lt3A_620, %lt3A_622 : i1
          %and3A_624 = arith.andi %ne3A_623, %ne3A_618 : i1
          %add3A_625 = arith.addi %rem3A_616, %select_n3A_615 : i32
          %select_n3A_626 = arith.select %and3A_624, %add3A_625, %rem3A_616 : i32
          %mul3A_627 = arith.constant 4096 : i32
          %mul3A_628 = arith.muli %select_n3A_626, %mul3A_627 : i32
          %dma_wait3A_629 = tpu.memref_slice %arg7[%mul3A_581] : memref<16384xf32, #tpu.memory_space<vmem>> -> memref<4096xf32, #tpu.memory_space<vmem>>
          %dma_wait3A_630 = tpu.memref_slice %arg4[%select_n3A_610, %add3A_32, %mul3A_628] : memref<50x64x16384xf32, #tpu.memory_space<hbm>> -> memref<1x1x4096xf32, #tpu.memory_space<hbm>>
          %dma_wait3A_631 = tpu.memref_squeeze %dma_wait3A_630 : memref<1x1x4096xf32, #tpu.memory_space<hbm>> -> memref<4096xf32, #tpu.memory_space<hbm>>
          %dma_wait3A_632 = tpu.memref_slice %arg4[%select_n3A_610, %add3A_32, %mul3A_628] : memref<50x64x16384xf32, #tpu.memory_space<hbm>> -> memref<1x1x4096xf32, #tpu.memory_space<hbm>>
          %dma_wait3A_633 = tpu.memref_squeeze %dma_wait3A_632 : memref<1x1x4096xf32, #tpu.memory_space<hbm>> -> memref<4096xf32, #tpu.memory_space<hbm>>
          %dma_wait3A_634 = tpu.memref_slice %arg7[%mul3A_581] : memref<16384xf32, #tpu.memory_space<vmem>> -> memref<4096xf32, #tpu.memory_space<vmem>>
          tpu.wait_dma2 semaphore(%arg10 : memref<!tpu.dma_semaphore, #tpu.memory_space<semaphore_mem>>) src(%dma_wait3A_634 : memref<4096xf32, #tpu.memory_space<vmem>>) dst(%dma_wait3A_633 : memref<4096xf32, #tpu.memory_space<hbm>>)
        } else {
        }
        %add3A_487 = arith.constant 3 : i32
        %add3A_488 = arith.addi %while3A_436, %add3A_487 : i32
        %lt3A_489 = arith.cmpi slt, %add3A_488, %select_n3A : i32
        %convert_element_type3A_490 = arith.extui %lt3A_489 : i1 to i32
        %cond3A_491 = arith.constant 0 : i32
        %cond3A_492 = arith.cmpi ne, %convert_element_type3A_490, %cond3A_491 : i32
        scf.if %cond3A_492 {
          %add3A_562 = arith.constant 3 : i32
          %add3A_563 = arith.addi %while3A_436, %add3A_562 : i32
          %mul3A_564 = arith.constant 16 : i32
          %mul3A_565 = arith.muli %mul3A_564, %add3A_563 : i32
          %add3A_566 = arith.addi %arg1, %mul3A_565 : i32
          %jit3A_567 = arith.constant 4 : i32
          %div3A_568 = arith.divsi %add3A_566, %jit3A_567 : i32
          %sign3A_569 = arith.constant 0 : i32
          %sign3A_570 = arith.cmpi sgt, %add3A_566, %sign3A_569 : i32
          %sign3A_571 = arith.extui %sign3A_570 : i1 to i32
          %sign3A_572 = arith.constant 0 : i32
          %sign3A_573 = arith.cmpi slt, %add3A_566, %sign3A_572 : i32
          %sign3A_574 = arith.extui %sign3A_573 : i1 to i32
          %sign3A_575 = arith.subi %sign3A_571, %sign3A_574 : i32
          %sign3A_576 = arith.constant 0 : i32
          %sign3A_577 = arith.cmpi sgt, %jit3A_567, %sign3A_576 : i32
          %sign3A_578 = arith.extui %sign3A_577 : i1 to i32
          %sign3A_579 = arith.constant 0 : i32
          %sign3A_580 = arith.cmpi slt, %jit3A_567, %sign3A_579 : i32
          %sign3A_581 = arith.extui %sign3A_580 : i1 to i32
          %sign3A_582 = arith.subi %sign3A_578, %sign3A_581 : i32
          %ne3A_583 = arith.cmpi ne, %sign3A_575, %sign3A_582 : i32
          %rem3A_584 = arith.remsi %add3A_566, %jit3A_567 : i32
          %ne3A_585 = arith.constant 0 : i32
          %ne3A_586 = arith.cmpi ne, %rem3A_584, %ne3A_585 : i32
          %and3A_587 = arith.andi %ne3A_583, %ne3A_586 : i1
          %sub3A_588 = arith.constant 1 : i32
          %sub3A_589 = arith.subi %div3A_568, %sub3A_588 : i32
          %select_n3A_590 = arith.select %and3A_587, %sub3A_589, %div3A_568 : i32
          %jit3A_591 = arith.constant 4 : i32
          %eq3A_592 = arith.constant 0 : i32
          %eq3A_593 = arith.cmpi eq, %jit3A_591, %eq3A_592 : i32
          %jit3A_594 = arith.constant 1 : i32
          %select_n3A_595 = arith.select %eq3A_593, %jit3A_594, %jit3A_591 : i32
          %rem3A_596 = arith.remsi %add3A_566, %select_n3A_595 : i32
          %ne3A_597 = arith.constant 0 : i32
          %ne3A_598 = arith.cmpi ne, %rem3A_596, %ne3A_597 : i32
          %lt3A_599 = arith.constant 0 : i32
          %lt3A_600 = arith.cmpi slt, %rem3A_596, %lt3A_599 : i32
          %lt3A_601 = arith.constant 0 : i32
          %lt3A_602 = arith.cmpi slt, %select_n3A_595, %lt3A_601 : i32
          %ne3A_603 = arith.xori %lt3A_600, %lt3A_602 : i1
          %and3A_604 = arith.andi %ne3A_603, %ne3A_598 : i1
          %add3A_605 = arith.addi %rem3A_596, %select_n3A_595 : i32
          %select_n3A_606 = arith.select %and3A_604, %add3A_605, %rem3A_596 : i32
          %mul3A_607 = arith.constant 16384 : i32
          %mul3A_608 = arith.muli %select_n3A_590, %mul3A_607 : i32
          %mul3A_609 = arith.constant 4096 : i32
          %mul3A_610 = arith.muli %select_n3A_606, %mul3A_609 : i32
          %add3A_611 = arith.addi %mul3A_608, %mul3A_610 : i32
          %add3A_612 = arith.constant 3 : i32
          %add3A_613 = arith.addi %while3A_436, %add3A_612 : i32
          %jit3A_614 = arith.constant 5 : i32
          %eq3A_615 = arith.constant 0 : i32
          %eq3A_616 = arith.cmpi eq, %jit3A_614, %eq3A_615 : i32
          %jit3A_617 = arith.constant 1 : i32
          %select_n3A_618 = arith.select %eq3A_616, %jit3A_617, %jit3A_614 : i32
          %rem3A_619 = arith.remsi %add3A_613, %select_n3A_618 : i32
          %ne3A_620 = arith.constant 0 : i32
          %ne3A_621 = arith.cmpi ne, %rem3A_619, %ne3A_620 : i32
          %lt3A_622 = arith.constant 0 : i32
          %lt3A_623 = arith.cmpi slt, %rem3A_619, %lt3A_622 : i32
          %lt3A_624 = arith.constant 0 : i32
          %lt3A_625 = arith.cmpi slt, %select_n3A_618, %lt3A_624 : i32
          %ne3A_626 = arith.xori %lt3A_623, %lt3A_625 : i1
          %and3A_627 = arith.andi %ne3A_626, %ne3A_621 : i1
          %add3A_628 = arith.addi %rem3A_619, %select_n3A_618 : i32
          %select_n3A_629 = arith.select %and3A_627, %add3A_628, %rem3A_619 : i32
          %mul3A_630 = arith.constant 4096 : i32
          %mul3A_631 = arith.muli %select_n3A_629, %mul3A_630 : i32
          %dma_wait3A_632 = tpu.memref_slice %arg6[%mul3A_631] : memref<20480xi32, #tpu.memory_space<vmem>> -> memref<4096xi32, #tpu.memory_space<vmem>>
          %dma_wait3A_633 = tpu.memref_slice %arg2[%add3A_611] : memref<819200xi32, #tpu.memory_space<hbm>> -> memref<4096xi32, #tpu.memory_space<hbm>>
          %dma_wait3A_634 = tpu.memref_slice %arg6[%mul3A_631] : memref<20480xi32, #tpu.memory_space<vmem>> -> memref<4096xi32, #tpu.memory_space<vmem>>
          %dma_wait3A_635 = tpu.memref_slice %arg2[%add3A_611] : memref<819200xi32, #tpu.memory_space<hbm>> -> memref<4096xi32, #tpu.memory_space<hbm>>
          tpu.wait_dma2 semaphore(%arg8 : memref<!tpu.dma_semaphore, #tpu.memory_space<semaphore_mem>>) src(%dma_wait3A_635 : memref<4096xi32, #tpu.memory_space<hbm>>) dst(%dma_wait3A_634 : memref<4096xi32, #tpu.memory_space<vmem>>)
          %add3A_636 = arith.constant 3 : i32
          %add3A_637 = arith.addi %while3A_436, %add3A_636 : i32
          %jit3A_638 = arith.constant 5 : i32
          %eq3A_639 = arith.constant 0 : i32
          %eq3A_640 = arith.cmpi eq, %jit3A_638, %eq3A_639 : i32
          %jit3A_641 = arith.constant 1 : i32
          %select_n3A_642 = arith.select %eq3A_640, %jit3A_641, %jit3A_638 : i32
          %rem3A_643 = arith.remsi %add3A_637, %select_n3A_642 : i32
          %ne3A_644 = arith.constant 0 : i32
          %ne3A_645 = arith.cmpi ne, %rem3A_643, %ne3A_644 : i32
          %lt3A_646 = arith.constant 0 : i32
          %lt3A_647 = arith.cmpi slt, %rem3A_643, %lt3A_646 : i32
          %lt3A_648 = arith.constant 0 : i32
          %lt3A_649 = arith.cmpi slt, %select_n3A_642, %lt3A_648 : i32
          %ne3A_650 = arith.xori %lt3A_647, %lt3A_649 : i1
          %and3A_651 = arith.andi %ne3A_650, %ne3A_645 : i1
          %add3A_652 = arith.addi %rem3A_643, %select_n3A_642 : i32
          %select_n3A_653 = arith.select %and3A_651, %add3A_652, %rem3A_643 : i32
          %mul3A_654 = arith.constant 4096 : i32
          %mul3A_655 = arith.muli %select_n3A_653, %mul3A_654 : i32
          %add3A_656 = arith.constant 3 : i32
          %add3A_657 = arith.addi %while3A_436, %add3A_656 : i32
          %jit3A_658 = arith.constant 4 : i32
          %eq3A_659 = arith.constant 0 : i32
          %eq3A_660 = arith.cmpi eq, %jit3A_658, %eq3A_659 : i32
          %jit3A_661 = arith.constant 1 : i32
          %select_n3A_662 = arith.select %eq3A_660, %jit3A_661, %jit3A_658 : i32
          %rem3A_663 = arith.remsi %add3A_657, %select_n3A_662 : i32
          %ne3A_664 = arith.constant 0 : i32
          %ne3A_665 = arith.cmpi ne, %rem3A_663, %ne3A_664 : i32
          %lt3A_666 = arith.constant 0 : i32
          %lt3A_667 = arith.cmpi slt, %rem3A_663, %lt3A_666 : i32
          %lt3A_668 = arith.constant 0 : i32
          %lt3A_669 = arith.cmpi slt, %select_n3A_662, %lt3A_668 : i32
          %ne3A_670 = arith.xori %lt3A_667, %lt3A_669 : i1
          %and3A_671 = arith.andi %ne3A_670, %ne3A_665 : i1
          %add3A_672 = arith.addi %rem3A_663, %select_n3A_662 : i32
          %select_n3A_673 = arith.select %and3A_671, %add3A_672, %rem3A_663 : i32
          %mul3A_674 = arith.constant 4096 : i32
          %mul3A_675 = arith.muli %select_n3A_673, %mul3A_674 : i32
          %dma_start3A_676 = tpu.memref_slice %arg7[%mul3A_675] : memref<16384xf32, #tpu.memory_space<vmem>> -> memref<4096xf32, #tpu.memory_space<vmem>>
          %dma_start3A_677 = tpu.memref_slice %arg6[%mul3A_655] : memref<20480xi32, #tpu.memory_space<vmem>> -> memref<4096xi32, #tpu.memory_space<vmem>>
          %dma_start3A_678 = arith.constant 0 : i32
          %dma_start3A_679 = tpu.memref_slice %arg5[%dma_start3A_678] : memref<1000000xf32, #tpu.memory_space<vmem_shared>> -> memref<1000000xf32, #tpu.memory_space<vmem_shared>>
          tpu.enqueue_indirect_dma source(%dma_start3A_679 : memref<1000000xf32, #tpu.memory_space<vmem_shared>>) target(%dma_start3A_676 : memref<4096xf32, #tpu.memory_space<vmem>>) offsets(%dma_start3A_677 : memref<4096xi32, #tpu.memory_space<vmem>>) semaphore(%arg9 : memref<!tpu.dma_semaphore, #tpu.memory_space<semaphore_mem>>)
        } else {
        }
        %jit3A_493 = arith.constant 4 : i32
        %eq3A_494 = arith.constant 0 : i32
        %eq3A_495 = arith.cmpi eq, %jit3A_493, %eq3A_494 : i32
        %jit3A_496 = arith.constant 1 : i32
        %select_n3A_497 = arith.select %eq3A_495, %jit3A_496, %jit3A_493 : i32
        %rem3A_498 = arith.remsi %while3A_436, %select_n3A_497 : i32
        %ne3A_499 = arith.constant 0 : i32
        %ne3A_500 = arith.cmpi ne, %rem3A_498, %ne3A_499 : i32
        %lt3A_501 = arith.constant 0 : i32
        %lt3A_502 = arith.cmpi slt, %rem3A_498, %lt3A_501 : i32
        %lt3A_503 = arith.constant 0 : i32
        %lt3A_504 = arith.cmpi slt, %select_n3A_497, %lt3A_503 : i32
        %ne3A_505 = arith.xori %lt3A_502, %lt3A_504 : i1
        %and3A_506 = arith.andi %ne3A_505, %ne3A_500 : i1
        %add3A_507 = arith.addi %rem3A_498, %select_n3A_497 : i32
        %select_n3A_508 = arith.select %and3A_506, %add3A_507, %rem3A_498 : i32
        %mul3A_509 = arith.constant 4096 : i32
        %mul3A_510 = arith.muli %select_n3A_508, %mul3A_509 : i32
        %mul3A_511 = arith.constant 16 : i32
        %mul3A_512 = arith.muli %mul3A_511, %while3A_436 : i32
        %add3A_513 = arith.addi %arg1, %mul3A_512 : i32
        %jit3A_514 = arith.constant 4 : i32
        %div3A_515 = arith.divsi %add3A_513, %jit3A_514 : i32
        %sign3A_516 = arith.constant 0 : i32
        %sign3A_517 = arith.cmpi sgt, %add3A_513, %sign3A_516 : i32
        %sign3A_518 = arith.extui %sign3A_517 : i1 to i32
        %sign3A_519 = arith.constant 0 : i32
        %sign3A_520 = arith.cmpi slt, %add3A_513, %sign3A_519 : i32
        %sign3A_521 = arith.extui %sign3A_520 : i1 to i32
        %sign3A_522 = arith.subi %sign3A_518, %sign3A_521 : i32
        %sign3A_523 = arith.constant 0 : i32
        %sign3A_524 = arith.cmpi sgt, %jit3A_514, %sign3A_523 : i32
        %sign3A_525 = arith.extui %sign3A_524 : i1 to i32
        %sign3A_526 = arith.constant 0 : i32
        %sign3A_527 = arith.cmpi slt, %jit3A_514, %sign3A_526 : i32
        %sign3A_528 = arith.extui %sign3A_527 : i1 to i32
        %sign3A_529 = arith.subi %sign3A_525, %sign3A_528 : i32
        %ne3A_530 = arith.cmpi ne, %sign3A_522, %sign3A_529 : i32
        %rem3A_531 = arith.remsi %add3A_513, %jit3A_514 : i32
        %ne3A_532 = arith.constant 0 : i32
        %ne3A_533 = arith.cmpi ne, %rem3A_531, %ne3A_532 : i32
        %and3A_534 = arith.andi %ne3A_530, %ne3A_533 : i1
        %sub3A_535 = arith.constant 1 : i32
        %sub3A_536 = arith.subi %div3A_515, %sub3A_535 : i32
        %select_n3A_537 = arith.select %and3A_534, %sub3A_536, %div3A_515 : i32
        %jit3A_538 = arith.constant 4 : i32
        %eq3A_539 = arith.constant 0 : i32
        %eq3A_540 = arith.cmpi eq, %jit3A_538, %eq3A_539 : i32
        %jit3A_541 = arith.constant 1 : i32
        %select_n3A_542 = arith.select %eq3A_540, %jit3A_541, %jit3A_538 : i32
        %rem3A_543 = arith.remsi %add3A_513, %select_n3A_542 : i32
        %ne3A_544 = arith.constant 0 : i32
        %ne3A_545 = arith.cmpi ne, %rem3A_543, %ne3A_544 : i32
        %lt3A_546 = arith.constant 0 : i32
        %lt3A_547 = arith.cmpi slt, %rem3A_543, %lt3A_546 : i32
        %lt3A_548 = arith.constant 0 : i32
        %lt3A_549 = arith.cmpi slt, %select_n3A_542, %lt3A_548 : i32
        %ne3A_550 = arith.xori %lt3A_547, %lt3A_549 : i1
        %and3A_551 = arith.andi %ne3A_550, %ne3A_545 : i1
        %add3A_552 = arith.addi %rem3A_543, %select_n3A_542 : i32
        %select_n3A_553 = arith.select %and3A_551, %add3A_552, %rem3A_543 : i32
        %mul3A_554 = arith.constant 4096 : i32
        %mul3A_555 = arith.muli %select_n3A_553, %mul3A_554 : i32
        %dma_start3A_556 = tpu.memref_slice %arg7[%mul3A_510] : memref<16384xf32, #tpu.memory_space<vmem>> -> memref<4096xf32, #tpu.memory_space<vmem>>
        %dma_start3A_557 = tpu.memref_slice %arg4[%select_n3A_537, %add3A_32, %mul3A_555] : memref<50x64x16384xf32, #tpu.memory_space<hbm>> -> memref<1x1x4096xf32, #tpu.memory_space<hbm>>
        %dma_start3A_558 = tpu.memref_squeeze %dma_start3A_557 : memref<1x1x4096xf32, #tpu.memory_space<hbm>> -> memref<4096xf32, #tpu.memory_space<hbm>>
        %dma_start3A_559 = tpu.memref_slice %arg4[%select_n3A_537, %add3A_32, %mul3A_555] : memref<50x64x16384xf32, #tpu.memory_space<hbm>> -> memref<1x1x4096xf32, #tpu.memory_space<hbm>>
        %dma_start3A_560 = tpu.memref_squeeze %dma_start3A_559 : memref<1x1x4096xf32, #tpu.memory_space<hbm>> -> memref<4096xf32, #tpu.memory_space<hbm>>
        %dma_start3A_561 = tpu.memref_slice %arg7[%mul3A_510] : memref<16384xf32, #tpu.memory_space<vmem>> -> memref<4096xf32, #tpu.memory_space<vmem>>
        tpu.enqueue_dma source(%dma_start3A_561 : memref<4096xf32, #tpu.memory_space<vmem>>) target(%dma_start3A_560 : memref<4096xf32, #tpu.memory_space<hbm>>) target_semaphore(%arg10 : memref<!tpu.dma_semaphore, #tpu.memory_space<semaphore_mem>>)
      }
    }
    %scan3A_6 = arith.constant 32 : i32
    %sub3A = arith.constant 1 : i32
    %sub3A_7 = arith.subi %select_n3A, %sub3A : i32
    %jit3A_8 = arith.constant 4 : i32
    %eq3A = arith.constant 0 : i32
    %eq3A_9 = arith.cmpi eq, %jit3A_8, %eq3A : i32
    %jit3A_10 = arith.constant 1 : i32
    %select_n3A_11 = arith.select %eq3A_9, %jit3A_10, %jit3A_8 : i32
    %rem3A = arith.remsi %sub3A_7, %select_n3A_11 : i32
    %ne3A = arith.constant 0 : i32
    %ne3A_12 = arith.cmpi ne, %rem3A, %ne3A : i32
    %lt3A_13 = arith.constant 0 : i32
    %lt3A_14 = arith.cmpi slt, %rem3A, %lt3A_13 : i32
    %lt3A_15 = arith.constant 0 : i32
    %lt3A_16 = arith.cmpi slt, %select_n3A_11, %lt3A_15 : i32
    %ne3A_17 = arith.xori %lt3A_14, %lt3A_16 : i1
    %and3A = arith.andi %ne3A_17, %ne3A_12 : i1
    %add3A = arith.addi %rem3A, %select_n3A_11 : i32
    %select_n3A_18 = arith.select %and3A, %add3A, %rem3A : i32
    %mul3A = arith.constant 4096 : i32
    %mul3A_19 = arith.muli %select_n3A_18, %mul3A : i32
    %dma_wait3A = arith.constant 0 : i32
    %dma_wait3A_20 = arith.constant 0 : i32
    %dma_wait3A_21 = tpu.memref_slice %arg7[%mul3A_19] : memref<16384xf32, #tpu.memory_space<vmem>> -> memref<4096xf32, #tpu.memory_space<vmem>>
    %dma_wait3A_22 = arith.constant 0 : i32
    %dma_wait3A_23 = tpu.memref_slice %arg4[%dma_wait3A, %dma_wait3A_20, %dma_wait3A_22] : memref<50x64x16384xf32, #tpu.memory_space<hbm>> -> memref<1x1x4096xf32, #tpu.memory_space<hbm>>
    %dma_wait3A_24 = tpu.memref_squeeze %dma_wait3A_23 : memref<1x1x4096xf32, #tpu.memory_space<hbm>> -> memref<4096xf32, #tpu.memory_space<hbm>>
    %dma_wait3A_25 = arith.constant 0 : i32
    %dma_wait3A_26 = tpu.memref_slice %arg4[%dma_wait3A, %dma_wait3A_20, %dma_wait3A_25] : memref<50x64x16384xf32, #tpu.memory_space<hbm>> -> memref<1x1x4096xf32, #tpu.memory_space<hbm>>
    %dma_wait3A_27 = tpu.memref_squeeze %dma_wait3A_26 : memref<1x1x4096xf32, #tpu.memory_space<hbm>> -> memref<4096xf32, #tpu.memory_space<hbm>>
    %dma_wait3A_28 = tpu.memref_slice %arg7[%mul3A_19] : memref<16384xf32, #tpu.memory_space<vmem>> -> memref<4096xf32, #tpu.memory_space<vmem>>
    tpu.wait_dma2 semaphore(%arg10 : memref<!tpu.dma_semaphore, #tpu.memory_space<semaphore_mem>>) src(%dma_wait3A_28 : memref<4096xf32, #tpu.memory_space<vmem>>) dst(%dma_wait3A_27 : memref<4096xf32, #tpu.memory_space<hbm>>)
    return
  }
}

</mosaic_0001>

<sc_bundles>
// kernel: kernel.3.cloned.1.call-start
scs
__scs_entry_jumppad:
0x0: {  	(pc) =	sbr.rel $0x88, $3  }
0x1: {  	(tag) =	ssettag $0x0;
	lr =	simm.s32 $0x1  }
0x2: {  	[smem:$0x3F9F] =	sst lr;
	_ =	strace $0xD0000000  }
0x3: {  	_ = 	snop  }
0x4: {  	_ = 	snop  }
0x5: {  	_ = 	snop  }
0x6: {  	_ = 	snop  }
0x7: {  	_ = 	snop  }
__scs_overlays_trampoline_lowered:
0x8: {  	[smem:$0x3FAE] =	sst s0  }
0x9: {  	[smem:$0x3FAF] =	sst s1  }
0xa: {  	[smem:$0x3FB0] =	sst s2  }
0xb: {  	[smem:$0x3FB1] =	sst s3  }
0xc: {  	[smem:$0x3FB2] =	sst s4  }
0xd: {  	[smem:$0x3FB3] =	sst s5  }
0xe: {  	[smem:$0x3FB4] =	sst s6  }
0xf: {  	[smem:$0x3FB5] =	sst s7  }
0x10: {  	[smem:$0x3FB6] =	sst s8  }
0x11: {  	[smem:$0x3FB7] =	sst s9;
	s0 =	simm.s32 @!p0 $0x0  }
0x12: {  	s1 =	sld [smem:$0x3F9D];
	s0 =	simm.s32 @p0 $0x1  }
0x13: {  	[smem:$0x3FB8] =	sst s0;
	s0 =	simm.s32 @!p1 $0x0  }
0x14: {  	s2 =	sld [smem:$0x3F9C];
	s0 =	simm.s32 @p1 $0x1  }
0x15: {  	[smem:$0x3FB9] =	sst s0;
	s0 =	simm.s32 @!p2 $0x0  }
0x16: {  	s3 =	sld [smem:$0x3FDB];
	s0 =	simm.s32 @p2 $0x1  }
0x17: {  	s4 =	simm.s32 $0x1BF5;
	[smem:$0x3FBB] =	sst s0  }
0x18: {  	s0 =	sld [smem:$0x3F9E];
	_ =	swait.ge [sflag:s4], $0x0  }
0x19: {  	s7 =	sld [smem:$0x3F9F]  }
0x1a: {  	s8 =	sadd.s32 $0xFFFFE003, lr  }
0x1b: {  	s9 =	sadd.s32 $0xFFFFFEF7, lr;
	s5 =	simm.s32 $0xFFFFFFFF;
	p2 =	slt.u32 s8, $0xFFFFF086  }
0x1c: {  	p1 =	slt.u32 s9, $0xF7A;
	s5 =	simm.s32 @!p2 $0x0  }
0x1d: {  	s5 =	simm.s32 @p1 $0x1;
	p0 =	seq.s32 s7, s2  }
0x1e: {  	s7 =	smul.u32 @!p0 $0xF7A, s2;
	p2 =	seq.s32 @!p0 s5, $0x0  }
0x1f: {  	s9 =	smul.u32 $0xF7A, s1;
	s8 =	simm.s32 @!p0 $0x1BF5;
	p2 =	por !p2, p0  }
0x20: {  	[sflag:s8] =	ssyncset.s32 @!p0 $0xFFFFF086;
	s6 =	sadd.s32 @!p0 s3, s7;
	s7 =	simm.s32 @!p0 $0x108  }
0x21: {  	s3 =	sadd.s32 s3, s9;
	s6 =	sadd.s32 @!p0 $0x88, s6;
	s7 =	simm.s32 @p2 $0x1082  }
0x22: {  	[simem:s7], [sflag:s8] =	dma.local @!p0 [hbm:s6], $0xF7A  }
0x23: {  	s9 =	sor.u32 $0xD0000000, s2;
	s6 =	simm.s32 $0x108;
	_ =	swait.ge @!p0 [sflag:s8], $0x0  }
0x24: {  	s3 =	sadd.s32 $0x88, s3;
	s6 =	simm.s32 @!p1 $0x1082;
	[sflag:s4] =	ssyncset.s32 $0xFFFFF086  }
0x25: {  	[simem:s6], [sflag:s4] =	dma.local [hbm:s3], $0xF7A  }
0x26: {  	[smem:$0x3F9F] =	sst s1;
	(tag) =	ssettag s2;
	_ =	strace s9  }
0x27: {  	s1 =	sld [smem:$0x3FAF]  }
0x28: {  	s2 =	sld [smem:$0x3FB0]  }
0x29: {  	s4 =	sld [smem:$0x3FB2]  }
0x2a: {  	p0 =	seq.s32 s5, $0x0;
	s5 =	sld [smem:$0x3FB3]  }
0x2b: {  	s6 =	sld [smem:$0x3FB4]  }
0x2c: {  	s7 =	sld [smem:$0x3FB5]  }
0x2d: {  	s3 =	simm.s32 $0x108;
	s8 =	sld [smem:$0x3FB6]  }
0x2e: {  	s3 =	simm.s32 @!p0 $0x1082;
	s9 =	sld [smem:$0x3FB7]  }
0x2f: {  	lr =	sadd.s32 s0, s3;
	s0 =	sld [smem:$0x3FAE]  }
0x30: {  	s3 =	sld [smem:$0x3FB1]  }
0x31: {  	[smem:$0x3FBA] =	sst s10  }
0x32: {  	s10 =	sld [smem:$0x3FB8];
	_ =	sdelay $0x3  }
0x33: {  	p0 =	seq.s32 s10, $0x1;
	s10 =	sld [smem:$0x3FBA];
	_ =	sdelay $0x3  }
0x34: {  	[smem:$0x3FBA] =	sst s10  }
0x35: {  	s10 =	sld [smem:$0x3FB9];
	_ =	sdelay $0x3  }
0x36: {  	p1 =	seq.s32 s10, $0x1;
	s10 =	sld [smem:$0x3FBA];
	_ =	sdelay $0x3  }
0x37: {  	[smem:$0x3FBA] =	sst s10  }
0x38: {  	s10 =	sld [smem:$0x3FBB]  }
0x39: {  	_ = 	snop;
	(pc) =	sbr.ind lr, $3  }
0x3a: {  	_ = 	snop  }
0x3b: {  	_ = 	snop  }
0x3c: {  	p2 =	seq.s32 s10, $0x1;
	s10 =	sld [smem:$0x3FBA]  }
0x3d: {  	_ =	shalt  }
0x3e: {  	_ =	shalt  }
0x3f: {  	_ =	shalt  }
0x40: {  	_ =	shalt  }
0x41: {  	_ =	shalt  }
0x42: {  	_ =	shalt  }
0x43: {  	_ =	shalt  }
0x44: {  	_ =	shalt  }
0x45: {  	_ =	shalt  }
0x46: {  	_ =	shalt  }
0x47: {  	_ =	shalt  }
0x48: {  	_ =	shalt  }
0x49: {  	_ =	shalt  }
0x4a: {  	_ =	shalt  }
0x4b: {  	_ =	shalt  }
0x4c: {  	_ =	shalt  }
0x4d: {  	_ =	shalt  }
0x4e: {  	_ =	shalt  }
0x4f: {  	_ =	shalt  }
0x50: {  	_ =	shalt  }
0x51: {  	_ =	shalt  }
0x52: {  	_ =	shalt  }
0x53: {  	_ =	shalt  }
0x54: {  	_ =	shalt  }
0x55: {  	_ =	shalt  }
0x56: {  	_ =	shalt  }
0x57: {  	_ =	shalt  }
0x58: {  	_ =	shalt  }
0x59: {  	_ =	shalt  }
0x5a: {  	_ =	shalt  }
0x5b: {  	_ =	shalt  }
0x5c: {  	_ =	shalt  }
0x5d: {  	_ =	shalt  }
0x5e: {  	_ =	shalt  }
0x5f: {  	_ =	shalt  }
0x60: {  	_ =	shalt  }
0x61: {  	_ =	shalt  }
0x62: {  	_ =	shalt  }
0x63: {  	_ =	shalt  }
0x64: {  	_ =	shalt  }
0x65: {  	_ =	shalt  }
0x66: {  	_ =	shalt  }
0x67: {  	_ =	shalt  }
0x68: {  	_ =	shalt  }
0x69: {  	_ =	shalt  }
0x6a: {  	_ =	shalt  }
0x6b: {  	_ =	shalt  }
0x6c: {  	_ =	shalt  }
0x6d: {  	_ =	shalt  }
0x6e: {  	_ =	shalt  }
0x6f: {  	_ =	shalt  }
0x70: {  	_ =	shalt  }
0x71: {  	_ =	shalt  }
0x72: {  	_ =	shalt  }
0x73: {  	_ =	shalt  }
0x74: {  	_ =	shalt  }
0x75: {  	_ =	shalt  }
0x76: {  	_ =	shalt  }
0x77: {  	_ =	shalt  }
0x78: {  	_ =	shalt  }
0x79: {  	_ =	shalt  }
0x7a: {  	_ =	shalt  }
0x7b: {  	_ =	shalt  }
0x7c: {  	_ =	shalt  }
0x7d: {  	_ =	shalt  }
0x7e: {  	_ =	shalt  }
0x7f: {  	_ =	shalt  }
0x80: {  	_ =	shalt  }
0x81: {  	_ =	shalt  }
0x82: {  	_ =	shalt  }
0x83: {  	_ =	shalt  }
0x84: {  	_ =	shalt  }
0x85: {  	_ =	shalt  }
0x86: {  	_ =	shalt  }
0x87: {  	_ =	shalt  }
.Lfunc_end0:
.L_simem_size_0:
called_computation_lowered:
.L_overlay_start_0:
0x88: {  	s2 =	sld [smem:$0x3FD9]  }
0x89: {  	s3 =	sld [smem:$0x3FFE];
	_ =	sdelay $0x1  }
0x8a: {  	s1 =	srdreg.scid  }
0x8b: {  	s0 =	sand.u32 $0x1, s1  }
0x8c: {  	s17 =	sshll.u32 s0, $0xA;
	s2 =	sadd.s32 s3, s2  }
0x8d: {  	s2 =	sadd.s32 s2, s17  }
0x8e: {  	[smem:$0x3FC6] =	sst s2  }
0x8f: {  	_ = 	snop  }
0x90: {  	s2 =	sld [smem:$0x3FC8]  }
0x91: {  	s18 =	sld [smem:$0x3FD0];
	(tm) =	ssettm $0x1  }
0x92: {  	s4 =	sld [smem:$0x3FFB];
	_ =	sdelay $0x3  }
0x93: {  	_ =	strace s4  }
0x94: {  	s4 =	sld [smem:$0x3FFC];
	_ =	sdelay $0x3  }
0x95: {  	_ =	strace s4  }
0x96: {  	s4 =	sld [smem:$0x3FFD];
	_ =	sdelay $0x3  }
0x97: {  	_ =	strace s4  }
0x98: {  	_ =	strace $0x8FFFFFFF  }
0x99: {  	s19 =	sld [smem:$0x3FDB];
	_ =	sdelay $0x1  }
0x9a: {  	s5 =	simm.s32 $_scs_section_size  }
0x9b: {  	s6 =	simm.s32 $_size__tile_overlayer_lowered;
	s7 =	simm.s32 $_tile_overlayer_lowered  }
0x9c: {  	s22 =	simm.s32 $0x1BFF;
	s21 =	sshll.u32 s7, $0x1;
	s4 =	sadd.s32 s5, s19  }
0x9d: {  	s8 =	simm.s32 $0x0;
	s20 =	sshll.u32 s6, $0x1;
	s6 =	sadd.s32 s21, s4  }
0x9e: {  	[timem:s8], [sflag:s22] =	dma.local [hbm:s6], s20  }
0x9f: {  	_ =	swait.ge [sflag:s22], s20  }
0xa0: {  	s5 =	ssub.s32 $0x0, s20;
	[sflag:s22] =	ssyncset.done $0x0  }
0xa1: {  	[sflag:s22] =	ssyncadd.s32 s5;
	_ =	sdelay $0x1  }
0xa2: {  	s23 =	simm.s32 $0x1B8B  }
0xa3: {  	_ =	swait.ge [sflag:s23], $0x1  }
0xa4: {  	[sflag:s23] =	ssyncset.done $0x0  }
0xa5: {  	s25 =	simm.s32 $0x1B8E;
	s24 =	sld [smem:$0x3FFE];
	[sflag:s23] =	ssyncadd.s32 $0xFFFFFFFF  }
0xa6: {  	s26 =	simm.s32 $execute0_lowered;
	[smem:$0x3FD2] =	sst s25  }
0xa7: {  	s6 =	sshll.u32 s26, $0x1;
	_ =	strace $0x80000046;
	[dreg:$0x1] =	wrdreg $0xFFFFFFFF  }
0xa8: {  	s28 =	simm.s32 $_size_execute0_lowered;
	s4 =	sadd.s32 s4, s6;
	[dreg:$0x0] =	wrdreg $0x0  }
0xa9: {  	s6 =	sshll.u32 s28, $0x1;
	[dreg:$0x2] =	wrdreg s4  }
0xaa: {  	[dreg:$0x3] =	wrdreg s6  }
0xab: {  	[dreg:$0x4] =	wrdreg $0xC0  }
0xac: {  	_ =	task [dreg:s8], $0x5FFFF  }
0xad: {  	[dreg:$0x1] =	wrdreg $0xFFFFFFFF  }
0xae: {  	[dreg:$0x0] =	wrdreg $0x60  }
0xaf: {  	[dreg:$0x2] =	wrdreg s24  }
0xb0: {  	[dreg:$0x3] =	wrdreg s2  }
0xb1: {  	[dreg:$0x4] =	wrdreg s18  }
0xb2: {  	[dreg:$0x5] =	wrdreg $0x0  }
0xb3: {  	[dreg:$0x6] =	wrdreg $0x9  }
0xb4: {  	_ =	task.clear_ibuf [dreg:s8], $0x7FFFF;
	_ =	strace $0x90000046  }
0xb5: {  	s29 =	simm.s32 $0x9;
	_ =	strace $0x80000048  }
0xb6: {  	_ =	swait.ge [sflag:s29], $0x1  }
0xb7: {  	[sflag:s29] =	ssyncadd.s32 $0xFFFFFFFF  }
0xb8: {  	_ =	strace $0x90000048  }
0xb9: {  	_ =	sfence  }
0xba: {  	s30 =	sld [smem:$0x0];
	_ =	sdelay $0x2  }
0xbb: {  	s31 =	sshll.u32 s1, $0xD;
	s1 =	sshrl.u32 s1, $0x2  }
0xbc: {  	s3 =	sand.u32 $0x4000, s31;
	s1 =	sadd.s32 s1, s30  }
0xbd: {  	s0 =	sor.u32 s3, s0;
	s1 =	sshll.u32 s1, $0x11  }
0xbe: {  	s0 =	sor.u32 s1, s0  }
0xbf: {  	s0 =	sadd.s32 $0x8F2B, s0  }
0xc0: {  	[sflag:s0] =	ssyncadd.remote.s32 $0x1  }
0xc1: {  	_ =	sfence.sel $0xFFFF  }
0xc2: {  	[dreg:$0x0] =	wrdreg $0xFFFFFFFF;
	(pc) =	sbr.abs _section_cstart, $3  }
0xc3: {  	[dreg:$0x1] =	wrdreg $0xFFFFFFFF  }
0xc4: {  	_ =	task.clear_ibuf [dreg:s8], $0x2FFFF;
	_ =	strace $0x9FFFFFFF  }
0xc5: {  	(tm) =	ssettm $0x7FFFFFFF  }
tec
execute0_lowered:
.L_overlay_start_1:
0x0: {  	(tag) =	ssettag $0x1  }
0x1: {  	s0 =	rddreg [dreg:$0x0]  }
0x2: {  	s1 =	rddreg [dreg:$0x2]  }
0x3: {  	s2 =	rddreg [dreg:$0x3]  }
0x4: {  	s3 =	simm.s32 $0x0;
	s19 =	stileid.u32;
	s4 =	srdreg.scid  }
0x5: {  	s14 =	simm.s32 $0xF428;
	s15 =	simm.s32 $0x10428;
	s16 =	simm.s32 $0x11428  }
0x6: {  	s30 =	simm.s32 $0x80;
	s31 =	simm.s32 $0x400;
	[dreg:$0x7] =	wrdreg s1  }
0x7: {  	[smem:$0x7FF] =	sst s3;
	s5 =	sshll.u32 s19, $0x9;
	s6 =	sand.u32 $0x1, s4  }
0x8: {  	p0 =	slt.u32 s19, $0x8;
	s4 =	simm.s32 $0xD;
	s25 =	sand.u32 $0x3, s19  }
0x9: {  	s10 =	sshll.u32 s19, $0xF;
	s28 =	sshll.u32 s19, $0x8;
	s12 =	sshrl.u32 s19, $0x2  }
0xa: {  	_ =	strace $0x80000047;
	s0 =	sadd.s32 s5, s0;
	[dreg:$0x5] =	wrdreg s28  }
0xb: {  	s20 =	ssub.s32 $0x2, s6;
	s4 =	simm.s32 @!p0 $0xC;
	[dreg:$0x9] =	wrdreg s30  }
0xc: {  	s6 =	sshll.u32 s6, $0x5;
	s29 =	sand.u32 $0x18000, s10;
	[dreg:$0x8] =	wrdreg s31  }
0xd: {  	p0 =	sne.s32 s19, $0x0;
	s19 =	simm.s32 $0x1;
	[dreg:$0xb] =	wrdreg s6  }
0xe: {  	p1 =	sne.s32 s25, $0x0;
	s21 =	sadd.s32 $0x400, s0;
	[dreg:$0x11] =	wrdreg s29  }
0xf: {  	s7 =	sshrl.u32 s20, $0x1;
	s22 =	sadd.s32 $0x2400, s0;
	[dreg:$0xc] =	wrdreg s21  }
0x10: {  	s23 =	sadd.s32 $0x4400, s0;
	s24 =	sadd.s32 $0x6400, s0;
	[dreg:$0xd] =	wrdreg s22  }
0x11: {  	s26 =	sshll.u32 s4, $0xC;
	s13 =	sadd.s32 $0x8400, s0;
	[dreg:$0xe] =	wrdreg s23  }
0x12: {  	s18 =	sshrl.u32 @!p0 s2, $0x3;
	s5 =	ssub.s32 s20, s7;
	[dreg:$0xf] =	wrdreg s24  }
0x13: {  	[dreg:$0xa] =	wrdreg s26;
	s20 =	simm.s32 $0x1000;
	s5 =	smax.u32 s5, $0x1  }
0x14: {  	s24 =	simm.s32 $0x2;
	[dreg:$0x10] =	wrdreg s5;
	s5 =	simm.s32 $0x0  }
.LBB2_1:
0x15: {  	[dreg:$0x12] =	wrdreg s5;
	s28 =	simm.s32 $0x0  }
.LBB2_2:
0x16: {  	s0 =	rddreg [dreg:$0xc]  }
0x17: {  	s21 =	rddreg [dreg:$0xd]  }
0x18: {  	[tilespmem:s14], [sflag:$0x1] =	stream.linear.gather [hbm4b:s0+s3], $0x1000, $0x38;
	[tilespmem:$0x18428] =	vst v63  }
0x19: {  	s22 =	rddreg [dreg:$0xe]  }
0x1a: {  	[tilespmem:s15], [sflag:$0x1] =	stream.linear.gather [hbm4b:s21+s3], $0x1000, $0x38;
	[tilespmem:$0x18428] =	vst v63  }
0x1b: {  	s23 =	rddreg [dreg:$0xb]  }
0x1c: {  	[tilespmem:s16], [sflag:$0x1] =	stream.linear.gather [hbm4b:s22+s3], $0x1000, $0x38;
	[tilespmem:$0x18428] =	vst v63  }
0x1d: {  	s1 =	rddreg [dreg:$0xf];
	s5 =	simm.s32 $0x12428;
	s0 =	sadd.s32 s23, s28  }
0x1e: {  	[tilespmem:s5], [sflag:$0x1] =	stream.linear.gather [hbm4b:s1+s3], $0x1000, $0x38;
	[tilespmem:$0x18428] =	vst v63  }
0x1f: {  	s1 =	sshrl.u32 @!p0 s0, $0x3  }
0x20: {  	s5 =	sshll.u32 @!p0 s28, $0x7;
	s1 =	smul.u32 @!p0 $0x7A1400, s1  }
0x21: {  	s5 =	sand.u32 @!p0 $0x380, s5  }
0x22: {  	s6 =	simm.s32 @!p0 $0x10;
	[bflag:$0x0] =	sbarrier.arrive $0xFFFF;
	s1 =	sor.u32 @!p0 s5, s1  }
0x23: {  	s7 =	simm.s32 @!p0 $0x80;
	s5 =	rddreg [dreg:$0x1];
	s1 =	sshrl.u32 @!p0 s1, $0x3  }
0x24: {  	s10 =	simm.s32 @!p0 $0x1C04;
	s1 =	sadd.s32 @!p0 s5, s1;
	s5 =	simm.s32 @!p0 $0x1  }
0x25: {  	[spmem:s18@s6], [sflag:s10] =	dma.strided @!p0 [hbm:s1@s7], $0x1E850, s5, $0x10   }
0x26: {  	s1 =	simm.s32 @!p0 $0x4  }
0x27: {  	_ =	swait.ge @!p0 [sflag:s1], $0x1E850  }
0x28: {  	[sflag:s1] =	ssyncset.done @!p0 $0x0  }
0x29: {  	p2 =	seq.s32 s28, $0x0;
	[sflag:s1] =	ssyncadd.s32 @!p0 $0xFFFE17B0  }
0x2a: {  	s1 =	simm.s32 @!p2 $0x3;
	[bflag:$0x0] =	sbarrier.arrive $0xFFFF  }
0x2b: {  	_ =	swait.ge @!p2 [sflag:s1], $0x1000  }
0x2c: {  	[sflag:s1] =	ssyncset.done @!p2 $0x0  }
0x2d: {  	[sflag:s1] =	ssyncadd.s32 @!p2 $0xFFFFF000  }
0x2e: {  	_ =	swait.ge [sflag:s19], $0x1000  }
0x2f: {  	[sflag:s19] =	ssyncset.done $0x0  }
0x30: {  	s25 =	simm.s32 $0x14428;
	[sflag:s19] =	ssyncadd.s32 $0xFFFFF000  }
0x31: {  	[tilespmem:s25], [sflag:$0x2] =	stream.indirect.gather [spmem:s2], $0x1, s14, s20, $0xb8;
	[tilespmem:$0x18428] =	vst v63  }
0x32: {  	s26 =	simm.s32 $0x15428;
	s0 =	sshll.u32 s0, $0xE;
	_ =	swait.ge [sflag:s19], $0x1000  }
0x33: {  	s0 =	sand.u32 $0xE0000, s0;
	s5 =	simm.s32 $0x4;
	[sflag:s19] =	ssyncset.done $0x0  }
0x34: {  	s7 =	sshll.u32 s28, $0x7;
	s1 =	smulhi.u32 $0xCCCCCCCD, s5;
	[sflag:s19] =	ssyncadd.s32 $0xFFFFF000  }
0x35: {  	[tilespmem:s26], [sflag:$0x2] =	stream.indirect.gather [spmem:s2], $0x1, s15, s20, $0xb8;
	[tilespmem:$0x18428] =	vst v63  }
0x36: {  	s6 =	simm.s32 $0x16428;
	s5 =	sand.u32 $0x380, s7;
	_ =	swait.ge [sflag:s19], $0x1000  }
0x37: {  	s1 =	sshrl.u32 s1, $0x2;
	[sflag:s19] =	ssyncset.done $0x0;
	s8 =	rddreg [dreg:$0x11]  }
0x38: {  	s1 =	smul.u32 $0xFFFEC000, s1;
	[sflag:s19] =	ssyncadd.s32 $0xFFFFF000;
	s0 =	sor.u32 s8, s0  }
0x39: {  	[tilespmem:s6], [sflag:$0x2] =	stream.indirect.gather [spmem:s2], $0x1, s16, s20, $0xb8;
	[tilespmem:$0x18428] =	vst v63  }
0x3a: {  	p2 =	sle.u32 s4, $0x4;
	s1 =	sshra.s32 s1, $0x2;
	s0 =	sor.u32 s5, s0  }
0x3b: {  	[dreg:$0x6] =	wrdreg s0;
	s0 =	sadd.s32 $0x13428, s1;
	s1 =	simm.s32 @!p2 $0x0  }
0x3c: {  	[tilespmem:s0], [sflag:$0x1] =	stream.linear.gather @!p2 [hbm4b:s13+s1], $0x1000, $0x38;
	[tilespmem:$0x18428] =	vst v63  }
0x3d: {  	_ =	swait.ge [sflag:s24], $0x1000  }
0x3e: {  	p3 =	por $0x1, $0x1;
	[sflag:s24] =	ssyncset.done $0x0  }
0x3f: {  	s9 =	simm.s32 $0x3;
	s0 =	simm.s32 @!p3 $0x3;
	[sflag:s24] =	ssyncadd.s32 $0xFFFFF000  }
0x40: {  	s11 =	simm.s32 $0x0;
	s29 =	simm.s32 $0x1000;
	_ =	swait.ge @!p3 [sflag:s0], $0x1000  }
0x41: {  	s30 =	simm.s32 $0x4;
	p2 =	sle.u32 s4, $0x3;
	[sflag:s0] =	ssyncset.done @!p3 $0x0  }
0x42: {  	s31 =	simm.s32 $0x14428;
	[sflag:s0] =	ssyncadd.s32 @!p3 $0xFFFFF000;
	s0 =	simm.s32 @!p2 $0x1  }
0x43: {  	s25 =	simm.s32 $0x5;
	s1 =	smulhi.u32 $0xCCCCCCCD, s9;
	_ =	swait.ge @!p2 [sflag:s0], $0x1000  }
0x44: {  	s6 =	simm.s32 @!p2 $0x3000;
	s23 =	simm.s32 @!p2 $0x1000;
	s10 =	rddreg [dreg:$0x5]  }
0x45: {  	s1 =	sshrl.u32 s1, $0x2;
	s6 =	sand.u32 @!p2 $0x3000, s6;
	s5 =	sadd.s32 $0x0, s10  }
0x46: {  	s1 =	smul.u32 $0xFFFEC000, s1;
	s21 =	sor.u32 @!p2 $0x14428, s6;
	p6 =	seq.s32 s5, $0x0  }
0x47: {  	s17 =	rddreg [dreg:$0xa];
	[sflag:s0] =	ssyncset.done @!p2 $0x0;
	p4 =	por !p6, !p1  }
0x48: {  	[sflag:s0] =	ssyncadd.s32 @!p2 $0xFFFFF000;
	s0 =	simm.s32 $0x1;
	p4 =	por !p4, !p4  }
0x49: {  	s1 =	sshra.s32 s1, $0x2;
	p3 =	sne.s32 s17, $0x1000;
	s0 =	simm.s32 @!p4 $0x0  }
.Ltmp0:
0x4a: {  	s22 =	rddreg [dreg:$0x6];
	s26 =	ssub.s32 s12, s0;
	(pc) =	sbr.rel @!p3 .LBB2_4-.Ltmp0, $4  }
0x4b: {  	s10 =	sadd.s32 $0x2000, s13;
	s17 =	rddreg [dreg:$0x7];
	s6 =	sshll.u32 s26, $0x14  }
0x4c: {  	s0 =	simm.s32 $0x13428;
	s5 =	sor.u32 s22, s6;
	s22 =	rddreg [dreg:$0x9]  }
0x4d: {  	s6 =	sadd.s32 $0x12428, s1;
	s1 =	sand.u32 $0x3000, s11;
	s26 =	sshrl.u32 s5, $0x3  }
0x4e: {  	s5 =	rddreg [dreg:$0x8];
	s7 =	sadd.s32 s17, s26;
	s26 =	sadd.s32 $0x4, s12  }
.LBB2_3:
0x4f: {  	s8 =	smulhi.u32 $0xCCCCCCCD, s25  }
0x50: {  	[tilespmem:s21], [sflag:$0x2] =	stream.indirect.gather @!p2 [spmem:s2], $0x1, s6, s23, $0xb8;
	[tilespmem:$0x18428] =	vst v63  }
0x51: {  	s9 =	sor.u32 $0x14428, s1;
	s8 =	sshrl.u32 s8, $0x2  }
0x52: {  	[hbm4b:s7+s22] =	stream.strided.scatter [tilespmem:s9], [sflag:$0x3], $0x1000, s5, s22, $0x38;
	[tilespmem:$0x18428] =	vst v63  }
0x53: {  	s9 =	smul.u32 $0xFFFEC000, s8  }
0x54: {  	s11 =	smov.u32 s30;
	s30 =	sadd.s32 $0x1, s30  }
0x55: {  	p2 =	sge.u32 s30, s4;
	s5 =	sshra.s32 s9, $0x2  }
0x56: {  	s6 =	simm.s32 @!p2 $0x0;
	s5 =	sadd.s32 s5, s31  }
0x57: {  	[tilespmem:s5], [sflag:$0x1] =	stream.linear.gather @!p2 [hbm4b:s10+s6], $0x1000, $0x38;
	[tilespmem:$0x18428] =	vst v63  }
0x58: {  	s1 =	smov.u32 s29;
	_ =	swait.ge [sflag:s24], $0x1000  }
0x59: {  	p3 =	seq.s32 s1, $0x0;
	[sflag:s24] =	ssyncset.done $0x0  }
0x5a: {  	s6 =	simm.s32 @!p3 $0x3;
	[sflag:s24] =	ssyncadd.s32 $0xFFFFF000  }
0x5b: {  	s29 =	sadd.s32 $0x1000, s29;
	_ =	swait.ge @!p3 [sflag:s6], $0x1000  }
0x5c: {  	s17 =	smov.u32 s0;
	p2 =	sge.u32 s11, s4;
	[sflag:s6] =	ssyncset.done @!p3 $0x0  }
0x5d: {  	s21 =	smulhi.u32 $0xCCCCCCCD, s11;
	[sflag:s6] =	ssyncadd.s32 @!p3 $0xFFFFF000;
	s6 =	simm.s32 @!p2 $0x1  }
0x5e: {  	s0 =	sadd.s32 $0x1000, s0;
	s25 =	sadd.s32 $0x1, s25;
	_ =	swait.ge @!p2 [sflag:s6], $0x1000  }
0x5f: {  	s31 =	sadd.s32 $0x1000, s31;
	s5 =	sshrl.u32 s21, $0x2;
	s22 =	rddreg [dreg:$0x5]  }
0x60: {  	s10 =	sadd.s32 $0x2000, s10;
	s7 =	sadd.s32 @!p2 $0x3000, s1;
	s8 =	sadd.s32 s1, s22  }
0x61: {  	[sflag:s6] =	ssyncset.done @!p2 $0x0;
	s23 =	rddreg [dreg:$0xa];
	p4 =	seq.s32 s8, $0x0  }
0x62: {  	[sflag:s6] =	ssyncadd.s32 @!p2 $0xFFFFF000;
	s6 =	sand.u32 @!p2 $0x3000, s7;
	p4 =	por !p4, !p1  }
0x63: {  	s21 =	sor.u32 @!p2 $0x14428, s6;
	s6 =	simm.s32 $0x1;
	p4 =	por !p4, !p4  }
0x64: {  	s5 =	smul.u32 $0xFFFEC000, s5;
	p3 =	sne.s32 s23, s29;
	s6 =	simm.s32 @!p4 $0x0  }
.Ltmp1:
0x65: {  	s9 =	rddreg [dreg:$0x6];
	s6 =	ssub.s32 s26, s6;
	(pc) =	sbr.rel @p3 .LBB2_3-.Ltmp1, $4  }
0x66: {  	s5 =	sshra.s32 s5, $0x2;
	s11 =	rddreg [dreg:$0x7];
	s6 =	sshll.u32 s6, $0x14  }
0x67: {  	s23 =	simm.s32 @!p2 $0x1000;
	s22 =	rddreg [dreg:$0x9];
	s7 =	sor.u32 s9, s6  }
0x68: {  	s1 =	sand.u32 $0x3000, s1;
	s26 =	sadd.s32 $0x4, s26;
	s7 =	sshrl.u32 s7, $0x3  }
0x69: {  	s6 =	sadd.s32 s5, s17;
	s5 =	rddreg [dreg:$0x8];
	s7 =	sadd.s32 s11, s7  }
.LBB2_4:
0x6a: {  	[tilespmem:s21], [sflag:$0x2] =	stream.indirect.gather @!p2 [spmem:s2], $0x1, s6, s23, $0xb8;
	[tilespmem:$0x18428] =	vst v63  }
0x6b: {  	s28 =	sadd.s32 $0x1, s28  }
0x6c: {  	p2 =	sne.s32 s28, $0x20  }
.Ltmp2:
0x6d: {  	_ = 	snop;
	(pc) =	sbr.rel @p2 .LBB2_2-.Ltmp2, $3  }
0x6e: {  	_ =	sdelay $0x1  }
0x6f: {  	s0 =	sor.u32 $0x14428, s1  }
0x70: {  	[hbm4b:s7+s22] =	stream.strided.scatter [tilespmem:s0], [sflag:$0x3], $0x1000, s5, s22, $0x38;
	[tilespmem:$0x18428] =	vst v63  }
0x71: {  	s1 =	simm.s32 $0x3  }
0x72: {  	_ =	swait.ge [sflag:s1], $0x1000  }
0x73: {  	s5 =	rddreg [dreg:$0x12]  }
0x74: {  	s0 =	rddreg [dreg:$0x10];
	s5 =	sadd.s32 $0x1, s5  }
0x75: {  	p2 =	sne.s32 s5, s0  }
.Ltmp3:
0x76: {  	_ = 	snop;
	(pc) =	sbr.rel @p2 .LBB2_1-.Ltmp3, $3  }
0x77: {  	_ =	sdelay $0x1  }
0x78: {  	[sflag:s1] =	ssyncset.done $0x0  }
0x79: {  	[sflag:s1] =	ssyncadd.s32 $0xFFFFF000  }
0x7a: {  	_ =	sfence.sel $0x180000  }
0x7b: {  	[bflag:$0x0] =	sbarrier.arrive $0xFFFF  }
0x7c: {  	_ =	strace $0x90000047  }
0x7d: {  	[bflag:$0x2] =	sbarrier.arrive $0xFFFF  }
0x7e: {  	s0 =	rddreg [dreg:$0x4]  }
0x7f: {  	s0 =	sadd.s32 @!p0 $0x100000, s0  }
0x80: {  	[sflag:s0] =	ssyncadd.tile.s32 @!p0 $0x1;
	_ =	shalt  }
.Lfunc_end2:
_tile_overlayer_lowered:
.L_overlay_start_2:
0x81: {  	(tag) =	ssettag $0x2  }
0x82: {  	s0 =	rddreg [dreg:$0x0];
	s2 =	stileid.u32  }
0x83: {  	s1 =	rddreg [dreg:$0x1];
	p0 =	sne.s32 s2, $0x0  }
0x84: {  	s3 =	rddreg [dreg:$0x2];
	[bflag:$0x3] =	sbarrier.arrive $0xFFFF;
	s2 =	simm.s32 @!p0 $0x1C04  }
0x85: {  	[timem:s3], [sflag:s2] =	dma.local @!p0 [hbm:s0], s1  }
0x86: {  	s0 =	simm.s32 @!p0 $0x4  }
0x87: {  	_ =	swait.ge @!p0 [sflag:s0], s1  }
0x88: {  	s1 =	ssub.s32 @!p0 $0x0, s1;
	[sflag:s0] =	ssyncset.done @!p0 $0x0  }
0x89: {  	[sflag:s0] =	ssyncadd.s32 @!p0 s1  }
0x8a: {  	[bflag:$0x3] =	sbarrier.arrive $0xFFFF  }
0x8b: {  	_ =	shalt  }

</sc_bundles>
